<compile_context>
chip_gen: v7x
topology: tpu7x:2x2x1
jax: 0.10.2.dev20260603
libtpu: 0.0.44.dev20260713+nightly
codegen_flags: <defaults>
</compile_context>

<pallas_src>
import dataclasses
import functools

import jax
import jax.numpy as jnp
from jax import lax
from jax.experimental import pallas as pl
from jax.experimental.pallas import tpu as pltpu
from jax.experimental.pallas import tpu_sc as plsc

_NUM_CORES = 2
_NUM_SUBCORES = 16
_LANES = 16
_NW = _NUM_CORES * _NUM_SUBCORES
_TBL_PAD = 128


def _sc_compiler_params():
    cp = pltpu.CompilerParams()
    if "needs_layout_passes" in pltpu.CompilerParams.__dataclass_fields__:
        cp = dataclasses.replace(cp, needs_layout_passes=False)
    return cp


def _embed_sc(tbl, inputs):
    b, l = inputs.shape
    rows = b // _NW
    offs = list(range(0, l - _LANES + 1, _LANES))
    if offs[-1] != l - _LANES:
        offs.append(l - _LANES)

    mesh = plsc.VectorSubcoreMesh(
        core_axis_name="c", subcore_axis_name="s",
        num_cores=_NUM_CORES, num_subcores=_NUM_SUBCORES,
    )

    blk_rows = 8

    @functools.partial(
        pl.kernel,
        out_type=jax.ShapeDtypeStruct((b, l), jnp.float32),
        mesh=mesh,
        scratch_types=[
            pltpu.VMEM((_TBL_PAD,), jnp.float32),
        ],
        compiler_params=_sc_compiler_params(),
    )
    def body(tbl_hbm, idx_hbm, out_hbm, tbl_v):
        pltpu.sync_copy(tbl_hbm, tbl_v)

        def block_body(idx_v, out_v):
            @plsc.parallel_loop(0, blk_rows, step=1, unroll=2)
            def _(r):
                for c in offs:
                    idx = idx_v[r, pl.ds(c, _LANES)]
                    out_v[r, pl.ds(c, _LANES)] = plsc.load_gather(tbl_v, [idx])

        pltpu.emit_pipeline(
            block_body,
            grid=(b // blk_rows,),
            in_specs=[pl.BlockSpec((blk_rows, l), lambda i: (i, 0))],
            out_specs=[pl.BlockSpec((blk_rows, l), lambda i: (i, 0))],
            core_axis_name=("c", "s"),
            dimension_semantics=(pltpu.PARALLEL,),
        )(idx_hbm, out_hbm)

    return body(tbl, inputs)


def _gather_tc(tbl, inputs, tc_rows):
    _, l = inputs.shape
    assert tc_rows % 1024 == 0
    blk = 1024

    def body(idx_ref, tbl_ref, out_ref):
        idx = jnp.clip(idx_ref[...], 0, _TBL_PAD - 1)
        t = jnp.broadcast_to(tbl_ref[...][None, :], (blk, _TBL_PAD))
        out_ref[...] = jnp.take_along_axis(t, idx, axis=1, mode="promise_in_bounds")

    return pl.pallas_call(
        body,
        grid=(tc_rows // blk,),
        in_specs=[
            pl.BlockSpec((blk, l), lambda i: (i, 0)),
            pl.BlockSpec((_TBL_PAD,), lambda i: (0,)),
        ],
        out_specs=pl.BlockSpec((blk, l), lambda i: (i, 0)),
        out_shape=jax.ShapeDtypeStruct((tc_rows, l), jnp.float32),
    )(inputs, tbl)


_TC_ROWS = 3072


def kernel(inputs, z_weights):
    b, l = inputs.shape
    tbl = jnp.pad(z_weights[:, 0], (0, _TBL_PAD - z_weights.shape[0]))
    idx = inputs.astype(jnp.int32)
    sc_in = lax.slice(idx, (_TC_ROWS, 0), (b, l))
    tc_in = lax.slice(idx, (0, 0), (_TC_ROWS, l))
    out_sc = _embed_sc(tbl, sc_in)
    out_tc = _gather_tc(tbl, tc_in, _TC_ROWS)
    return jnp.concatenate([out_tc, out_sc], axis=0)[..., None]

# --- scband reference (transcript-rebuilt; emitter-appended) ---
"""Pipeline reference for scband-atomic-number-embedding-46454366274181 (READ-ONLY COPY).

The authoritative reference and input builder live on the scoring server;
editing this copy changes nothing except your own understanding.
"""

import jax, jax.numpy as jnp
import numpy as np

MAX_ELEMENTS = 100  # max(elements)

def setup_inputs(seed: int = 0) -> dict:
    key = jax.random.key(seed)
    k1, _ = jax.random.split(key)
    inputs = jax.random.randint(k1, (4096, 200), 0, MAX_ELEMENTS + 1, dtype=jnp.int64 if jax.config.jax_enable_x64 else jnp.int32)
    # Embedding table initialized exactly as the torch module:
    # weights = arange(max_elements+1)[:, None].float()
    z_weights = jnp.arange(MAX_ELEMENTS + 1, dtype=jnp.float32)[:, None]
    return {"inputs": inputs, "z_weights": z_weights}

def reference(inputs, z_weights):
    # nn.Embedding lookup: table[indices] -> [B, L, 1]
    return jnp.take(z_weights, inputs, axis=0)

if __name__ == "__main__":
    import jax
    _d = setup_inputs()
    print(jax.jit(kernel)(*tuple(_d.values())))

</pallas_src>

<mosaic_0001>
#map = affine_map<(d0, d1) -> (0)>
#map1 = affine_map<(d0, d1) -> (0, 0)>
module attributes {stable_mosaic.version = 14 : i64} {
  func.func @body(%arg0: i32, %arg1: i32, %arg2: memref<128xf32, #tpu.memory_space<hbm>>, %arg3: memref<1024x200xi32, #tpu.memory_space<hbm>>, %arg4: memref<1024x200xf32, #tpu.memory_space<hbm>>, %arg5: memref<128xf32, #tpu.memory_space<vmem>>) attributes {dimension_semantics = [#tpu.dimension_semantics<core_parallel>, #tpu.dimension_semantics<subcore_parallel>], iteration_bounds = array<i64: 2, 16>, scalar_prefetch = 0 : i64, scratch_operands = 1 : i64, tpu.core_type = #tpu.core_type<sc_vector_subcore>, window_params = [{transform_indices = #map}, {transform_indices = #map1}, {transform_indices = #map1}]} {
    "tpu.region"() ({
      %run_scoped3A = tpu.sem_alloc : memref<!tpu.dma_semaphore, #tpu.memory_space<semaphore_mem>>
      tpu.enqueue_dma source(%arg2 : memref<128xf32, #tpu.memory_space<hbm>>) target(%arg5 : memref<128xf32, #tpu.memory_space<vmem>>) target_semaphore(%run_scoped3A : memref<!tpu.dma_semaphore, #tpu.memory_space<semaphore_mem>>)
      tpu.wait_dma2 semaphore(%run_scoped3A : memref<!tpu.dma_semaphore, #tpu.memory_space<semaphore_mem>>) src(%arg2 : memref<128xf32, #tpu.memory_space<hbm>>) dst(%arg5 : memref<128xf32, #tpu.memory_space<vmem>>)
      tpu.yield
    }) : () -> ()
    %mul3A = arith.constant 1 : i32
    %mul3A_0 = arith.muli %arg1, %mul3A : i32
    %add3A = arith.constant 0 : i32
    %add3A_1 = arith.addi %add3A, %mul3A_0 : i32
    %mul3A_2 = arith.constant 16 : i32
    %mul3A_3 = arith.muli %arg0, %mul3A_2 : i32
    %add3A_4 = arith.addi %add3A_1, %mul3A_3 : i32
    %mul3A_5 = arith.constant 4 : i32
    %mul3A_6 = arith.muli %add3A_4, %mul3A_5 : i32
    "tpu.region"() ({
      %run_scoped3A = memref.alloca() : memref<2x8x200xi32, #tpu.memory_space<vmem>>
      %run_scoped3A_7 = tpu.sem_alloc : memref<2x!tpu.dma_semaphore, #tpu.memory_space<semaphore_mem>>
      %run_scoped3A_8 = memref.alloca() : memref<2x8x200xf32, #tpu.memory_space<vmem>>
      %run_scoped3A_9 = tpu.sem_alloc : memref<2x!tpu.dma_semaphore, #tpu.memory_space<semaphore_mem>>
      %add3A_10 = arith.constant 0 : i32
      %add3A_11 = arith.addi %add3A_10, %mul3A_6 : i32
      %select_n3A = arith.constant true
      %select_n3A_12 = arith.constant 0 : i32
      %select_n3A_13 = arith.constant -1 : i32
      %select_n3A_14 = arith.select %select_n3A, %select_n3A_13, %select_n3A_12 : i32
      %eq3A = arith.constant -1 : i32
      %eq3A_15 = arith.cmpi eq, %select_n3A_14, %eq3A : i32
      %select_n3A_16 = arith.constant 3 : i32
      %select_n3A_17 = arith.select %eq3A_15, %select_n3A_16, %select_n3A_14 : i32
      %add3A_18 = arith.addi %select_n3A_17, %mul3A_6 : i32
      %select_n3A_19 = arith.constant true
      %select_n3A_20 = arith.constant 0 : i32
      %select_n3A_21 = arith.constant 1 : i32
      %select_n3A_22 = arith.select %select_n3A_19, %select_n3A_21, %select_n3A_20 : i32
      %eq3A_23 = arith.constant 4 : i32
      %eq3A_24 = arith.cmpi eq, %select_n3A_22, %eq3A_23 : i32
      %select_n3A_25 = arith.constant 0 : i32
      %select_n3A_26 = arith.select %eq3A_24, %select_n3A_25, %select_n3A_22 : i32
      %add3A_27 = arith.addi %select_n3A_26, %mul3A_6 : i32
      %add3A_28 = arith.constant 1 : i32
      %add3A_29 = arith.addi %select_n3A_26, %add3A_28 : i32
      %select_n3A_30 = arith.constant true
      %select_n3A_31 = arith.select %select_n3A_30, %add3A_29, %select_n3A_26 : i32
      %eq3A_32 = arith.constant 4 : i32
      %eq3A_33 = arith.cmpi eq, %select_n3A_31, %eq3A_32 : i32
      %select_n3A_34 = arith.constant 0 : i32
      %select_n3A_35 = arith.select %eq3A_33, %select_n3A_34, %select_n3A_31 : i32
      %add3A_36 = arith.addi %select_n3A_35, %mul3A_6 : i32
      "tpu.trace_start"() <{level = 10 : i32, message = "ep_initialize_0"}> : () -> ()
      %rem3A = arith.constant 0 : i32
      %rem3A_37 = arith.constant 2 : i32
      %rem3A_38 = arith.remui %rem3A, %rem3A_37 : i32
      %mul3A_39 = arith.constant 8 : i32
      %mul3A_40 = arith.muli %mul3A_39, %add3A_11 : i32
      %dma_start3A = arith.constant 0 : i32
      %dma_start3A_41 = arith.constant 0 : i32
      %dma_start3A_42 = tpu.memref_slice %run_scoped3A[%rem3A_38, %dma_start3A, %dma_start3A_41] : memref<2x8x200xi32, #tpu.memory_space<vmem>> -> memref<1x8x200xi32, #tpu.memory_space<vmem>>
      %dma_start3A_43 = tpu.memref_squeeze %dma_start3A_42 : memref<1x8x200xi32, #tpu.memory_space<vmem>> -> memref<8x200xi32, #tpu.memory_space<vmem>>
      %dma_start3A_44 = arith.constant 0 : i32
      %dma_start3A_45 = tpu.memref_slice %arg3[%mul3A_40, %dma_start3A_44] : memref<1024x200xi32, #tpu.memory_space<hbm>> -> memref<8x200xi32, #tpu.memory_space<hbm>>
      %dma_start3A_46 = tpu.memref_slice %run_scoped3A_7[%rem3A_38] : memref<2x!tpu.dma_semaphore, #tpu.memory_space<semaphore_mem>> -> memref<1x!tpu.dma_semaphore, #tpu.memory_space<semaphore_mem>>
      %dma_start3A_47 = tpu.memref_squeeze %dma_start3A_46 : memref<1x!tpu.dma_semaphore, #tpu.memory_space<semaphore_mem>> -> memref<!tpu.dma_semaphore, #tpu.memory_space<semaphore_mem>>
      %dma_start3A_48 = arith.constant 0 : i32
      %dma_start3A_49 = arith.constant 0 : i32
      %dma_start3A_50 = tpu.memref_slice %run_scoped3A[%rem3A_38, %dma_start3A_48, %dma_start3A_49] : memref<2x8x200xi32, #tpu.memory_space<vmem>> -> memref<1x8x200xi32, #tpu.memory_space<vmem>>
      %dma_start3A_51 = tpu.memref_squeeze %dma_start3A_50 : memref<1x8x200xi32, #tpu.memory_space<vmem>> -> memref<8x200xi32, #tpu.memory_space<vmem>>
      %dma_start3A_52 = arith.constant 0 : i32
      %dma_start3A_53 = tpu.memref_slice %arg3[%mul3A_40, %dma_start3A_52] : memref<1024x200xi32, #tpu.memory_space<hbm>> -> memref<8x200xi32, #tpu.memory_space<hbm>>
      tpu.enqueue_dma source(%dma_start3A_53 : memref<8x200xi32, #tpu.memory_space<hbm>>) target(%dma_start3A_51 : memref<8x200xi32, #tpu.memory_space<vmem>>) target_semaphore(%dma_start3A_47 : memref<!tpu.dma_semaphore, #tpu.memory_space<semaphore_mem>>)
      %add3A_54 = arith.constant 0 : i32
      %add3A_55 = arith.constant 1 : i32
      %add3A_56 = arith.addi %add3A_54, %add3A_55 : i32
      %select_n3A_57 = arith.constant true
      %select_n3A_58 = arith.constant 0 : i32
      %select_n3A_59 = arith.select %select_n3A_57, %add3A_56, %select_n3A_58 : i32
      "tpu.trace_stop"() : () -> ()
      %scan3A = arith.constant 0 : i32
      %scan3A_60 = arith.constant 0 : i32
      %scan3A_61 = arith.constant 0 : i32
      %scan3A_62 = arith.constant 0 : i32
      %scan3A_63 = arith.constant 0 : i32
      %scan3A_64 = arith.constant 4 : i32
      %scan3A_65 = arith.addi %scan3A_63, %scan3A_64 : i32
      %scan3A_66 = arith.constant 1 : i32
      %scan3A_67:5 = scf.for %scan3A_121 = %scan3A_63 to %scan3A_65 step %scan3A_66 iter_args(%scan3A_122 = %select_n3A_59, %scan3A_123 = %scan3A, %scan3A_124 = %scan3A_60, %scan3A_125 = %scan3A_61, %scan3A_126 = %scan3A_62) -> (i32, i32, i32, i32, i32)  : i32 {
        %eq3A_127 = arith.constant 0 : i32
        %eq3A_128 = arith.cmpi eq, %scan3A_121, %eq3A_127 : i32
        %eq3A_129 = arith.constant 3 : i32
        %eq3A_130 = arith.cmpi eq, %scan3A_121, %eq3A_129 : i32
        %add3A_131 = arith.addi %scan3A_126, %mul3A_6 : i32
        %sub3A_132 = arith.constant 1 : i32
        %sub3A_133 = arith.subi %scan3A_126, %sub3A_132 : i32
        %select_n3A_134 = arith.constant true
        %select_n3A_135 = arith.select %select_n3A_134, %sub3A_133, %scan3A_126 : i32
        %eq3A_136 = arith.constant -1 : i32
        %eq3A_137 = arith.cmpi eq, %select_n3A_135, %eq3A_136 : i32
        %select_n3A_138 = arith.constant 3 : i32
        %select_n3A_139 = arith.select %eq3A_137, %select_n3A_138, %select_n3A_135 : i32
        %add3A_140 = arith.addi %select_n3A_139, %mul3A_6 : i32
        %add3A_141 = arith.constant 1 : i32
        %add3A_142 = arith.addi %scan3A_126, %add3A_141 : i32
        %select_n3A_143 = arith.constant true
        %select_n3A_144 = arith.select %select_n3A_143, %add3A_142, %scan3A_126 : i32
        %eq3A_145 = arith.constant 4 : i32
        %eq3A_146 = arith.cmpi eq, %select_n3A_144, %eq3A_145 : i32
        %select_n3A_147 = arith.constant 0 : i32
        %select_n3A_148 = arith.select %eq3A_146, %select_n3A_147, %select_n3A_144 : i32
        %add3A_149 = arith.addi %select_n3A_148, %mul3A_6 : i32
        %add3A_150 = arith.constant 1 : i32
        %add3A_151 = arith.addi %select_n3A_148, %add3A_150 : i32
        %select_n3A_152 = arith.constant true
        %select_n3A_153 = arith.select %select_n3A_152, %add3A_151, %select_n3A_148 : i32
        %eq3A_154 = arith.constant 4 : i32
        %eq3A_155 = arith.cmpi eq, %select_n3A_153, %eq3A_154 : i32
        %select_n3A_156 = arith.constant 0 : i32
        %select_n3A_157 = arith.select %eq3A_155, %select_n3A_156, %select_n3A_153 : i32
        %add3A_158 = arith.addi %select_n3A_157, %mul3A_6 : i32
        %ne3A = arith.cmpi ne, %add3A_131, %add3A_149 : i32
        %or3A = arith.constant false
        %or3A_159 = arith.ori %or3A, %ne3A : i1
        %or3A_160 = arith.constant false
        %or3A_161 = arith.ori %or3A_159, %or3A_160 : i1
        %ge3A = arith.constant 3 : i32
        %ge3A_162 = arith.cmpi sge, %scan3A_121, %ge3A : i32
        %not3A = arith.constant true
        %not3A_163 = arith.xori %ge3A_162, %not3A : i1
        %and3A = arith.andi %or3A_161, %not3A_163 : i1
        %convert_element_type3A = arith.extui %and3A : i1 to i32
        %cond3A = arith.constant 0 : i32
        %cond3A_164 = arith.cmpi ne, %convert_element_type3A, %cond3A : i32
        scf.if %cond3A_164 {
          "tpu.trace_start"() <{level = 10 : i32, message = "ep_copy_in"}> : () -> ()
          %rem3A_275 = arith.constant 2 : i32
          %rem3A_276 = arith.remui %scan3A_122, %rem3A_275 : i32
          %mul3A_277 = arith.constant 8 : i32
          %mul3A_278 = arith.muli %mul3A_277, %add3A_149 : i32
          %dma_start3A_279 = arith.constant 0 : i32
          %dma_start3A_280 = arith.constant 0 : i32
          %dma_start3A_281 = tpu.memref_slice %run_scoped3A[%rem3A_276, %dma_start3A_279, %dma_start3A_280] : memref<2x8x200xi32, #tpu.memory_space<vmem>> -> memref<1x8x200xi32, #tpu.memory_space<vmem>>
          %dma_start3A_282 = tpu.memref_squeeze %dma_start3A_281 : memref<1x8x200xi32, #tpu.memory_space<vmem>> -> memref<8x200xi32, #tpu.memory_space<vmem>>
          %dma_start3A_283 = arith.constant 0 : i32
          %dma_start3A_284 = tpu.memref_slice %arg3[%mul3A_278, %dma_start3A_283] : memref<1024x200xi32, #tpu.memory_space<hbm>> -> memref<8x200xi32, #tpu.memory_space<hbm>>
          %dma_start3A_285 = tpu.memref_slice %run_scoped3A_7[%rem3A_276] : memref<2x!tpu.dma_semaphore, #tpu.memory_space<semaphore_mem>> -> memref<1x!tpu.dma_semaphore, #tpu.memory_space<semaphore_mem>>
          %dma_start3A_286 = tpu.memref_squeeze %dma_start3A_285 : memref<1x!tpu.dma_semaphore, #tpu.memory_space<semaphore_mem>> -> memref<!tpu.dma_semaphore, #tpu.memory_space<semaphore_mem>>
          %dma_start3A_287 = arith.constant 0 : i32
          %dma_start3A_288 = arith.constant 0 : i32
          %dma_start3A_289 = tpu.memref_slice %run_scoped3A[%rem3A_276, %dma_start3A_287, %dma_start3A_288] : memref<2x8x200xi32, #tpu.memory_space<vmem>> -> memref<1x8x200xi32, #tpu.memory_space<vmem>>
          %dma_start3A_290 = tpu.memref_squeeze %dma_start3A_289 : memref<1x8x200xi32, #tpu.memory_space<vmem>> -> memref<8x200xi32, #tpu.memory_space<vmem>>
          %dma_start3A_291 = arith.constant 0 : i32
          %dma_start3A_292 = tpu.memref_slice %arg3[%mul3A_278, %dma_start3A_291] : memref<1024x200xi32, #tpu.memory_space<hbm>> -> memref<8x200xi32, #tpu.memory_space<hbm>>
          tpu.enqueue_dma source(%dma_start3A_292 : memref<8x200xi32, #tpu.memory_space<hbm>>) target(%dma_start3A_290 : memref<8x200xi32, #tpu.memory_space<vmem>>) target_semaphore(%dma_start3A_286 : memref<!tpu.dma_semaphore, #tpu.memory_space<semaphore_mem>>)
          "tpu.trace_stop"() : () -> ()
        } else {
        }
        %and3A_165 = arith.constant true
        %and3A_166 = arith.andi %and3A, %and3A_165 : i1
        %add3A_167 = arith.constant 1 : i32
        %add3A_168 = arith.addi %scan3A_122, %add3A_167 : i32
        %select_n3A_169 = arith.select %and3A_166, %add3A_168, %scan3A_122 : i32
        %ne3A_170 = arith.cmpi ne, %add3A_131, %add3A_149 : i32
        %or3A_171 = arith.constant false
        %or3A_172 = arith.ori %or3A_171, %ne3A_170 : i1
        %or3A_173 = arith.constant false
        %or3A_174 = arith.ori %or3A_172, %or3A_173 : i1
        %ge3A_175 = arith.constant 3 : i32
        %ge3A_176 = arith.cmpi sge, %scan3A_121, %ge3A_175 : i32
        %not3A_177 = arith.constant true
        %not3A_178 = arith.xori %ge3A_176, %not3A_177 : i1
        %and3A_179 = arith.andi %or3A_174, %not3A_178 : i1
        %ne3A_180 = arith.cmpi ne, %add3A_131, %add3A_140 : i32
        %or3A_181 = arith.constant false
        %or3A_182 = arith.ori %or3A_181, %ne3A_180 : i1
        %or3A_183 = arith.constant false
        %or3A_184 = arith.ori %or3A_182, %or3A_183 : i1
        %or3A_185 = arith.ori %or3A_184, %eq3A_128 : i1
        %convert_element_type3A_186 = arith.extui %or3A_185 : i1 to i32
        %cond3A_187 = arith.constant 0 : i32
        %cond3A_188 = arith.cmpi ne, %convert_element_type3A_186, %cond3A_187 : i32
        scf.if %cond3A_188 {
          "tpu.trace_start"() <{level = 10 : i32, message = "ep_wait_in"}> : () -> ()
          %mul3A_275 = arith.constant 8 : i32
          %mul3A_276 = arith.muli %mul3A_275, %add3A_131 : i32
          %rem3A_277 = arith.constant 2 : i32
          %rem3A_278 = arith.remui %scan3A_123, %rem3A_277 : i32
          %dma_wait3A_279 = arith.constant 0 : i32
          %dma_wait3A_280 = arith.constant 0 : i32
          %dma_wait3A_281 = tpu.memref_slice %run_scoped3A[%rem3A_278, %dma_wait3A_279, %dma_wait3A_280] : memref<2x8x200xi32, #tpu.memory_space<vmem>> -> memref<1x8x200xi32, #tpu.memory_space<vmem>>
          %dma_wait3A_282 = tpu.memref_squeeze %dma_wait3A_281 : memref<1x8x200xi32, #tpu.memory_space<vmem>> -> memref<8x200xi32, #tpu.memory_space<vmem>>
          %dma_wait3A_283 = arith.constant 0 : i32
          %dma_wait3A_284 = tpu.memref_slice %arg3[%mul3A_276, %dma_wait3A_283] : memref<1024x200xi32, #tpu.memory_space<hbm>> -> memref<8x200xi32, #tpu.memory_space<hbm>>
          %dma_wait3A_285 = tpu.memref_slice %run_scoped3A_7[%rem3A_278] : memref<2x!tpu.dma_semaphore, #tpu.memory_space<semaphore_mem>> -> memref<1x!tpu.dma_semaphore, #tpu.memory_space<semaphore_mem>>
          %dma_wait3A_286 = tpu.memref_squeeze %dma_wait3A_285 : memref<1x!tpu.dma_semaphore, #tpu.memory_space<semaphore_mem>> -> memref<!tpu.dma_semaphore, #tpu.memory_space<semaphore_mem>>
          %dma_wait3A_287 = arith.constant 0 : i32
          %dma_wait3A_288 = arith.constant 0 : i32
          %dma_wait3A_289 = tpu.memref_slice %run_scoped3A[%rem3A_278, %dma_wait3A_287, %dma_wait3A_288] : memref<2x8x200xi32, #tpu.memory_space<vmem>> -> memref<1x8x200xi32, #tpu.memory_space<vmem>>
          %dma_wait3A_290 = tpu.memref_squeeze %dma_wait3A_289 : memref<1x8x200xi32, #tpu.memory_space<vmem>> -> memref<8x200xi32, #tpu.memory_space<vmem>>
          %dma_wait3A_291 = arith.constant 0 : i32
          %dma_wait3A_292 = tpu.memref_slice %arg3[%mul3A_276, %dma_wait3A_291] : memref<1024x200xi32, #tpu.memory_space<hbm>> -> memref<8x200xi32, #tpu.memory_space<hbm>>
          tpu.wait_dma2 semaphore(%dma_wait3A_286 : memref<!tpu.dma_semaphore, #tpu.memory_space<semaphore_mem>>) src(%dma_wait3A_292 : memref<8x200xi32, #tpu.memory_space<hbm>>) dst(%dma_wait3A_290 : memref<8x200xi32, #tpu.memory_space<vmem>>)
          "tpu.trace_stop"() : () -> ()
        } else {
        }
        %ne3A_189 = arith.cmpi ne, %add3A_131, %add3A_140 : i32
        %or3A_190 = arith.constant false
        %or3A_191 = arith.ori %or3A_190, %ne3A_189 : i1
        %or3A_192 = arith.constant false
        %or3A_193 = arith.ori %or3A_191, %or3A_192 : i1
        %or3A_194 = arith.ori %or3A_193, %eq3A_128 : i1
        %convert_element_type3A_195 = arith.extui %or3A_194 : i1 to i32
        %cond3A_196 = arith.constant 0 : i32
        %cond3A_197 = arith.cmpi ne, %convert_element_type3A_195, %cond3A_196 : i32
        scf.if %cond3A_197 {
        } else {
        }
        %rem3A_198 = arith.constant 2 : i32
        %rem3A_199 = arith.remui %scan3A_123, %rem3A_198 : i32
        %rem3A_200 = arith.constant 2 : i32
        %rem3A_201 = arith.remui %scan3A_124, %rem3A_200 : i32
        %parallel_loop3A = arith.constant 0 : i32
        %parallel_loop3A_202 = arith.constant 8 : i32
        %parallel_loop3A_203 = arith.constant 1 : i32
        "tpu.trace_start"() <{level = 10 : i32, message = "ep_run_kernel"}> : () -> ()
        scf.for %parallel_loop3A_275 = %parallel_loop3A to %parallel_loop3A_202 step %parallel_loop3A_203  : i32 {
          %parallel_loop3A_276 = arith.constant 0 : i32
          %parallel_loop3A_277 = arith.constant 0 : i32
          %parallel_loop3A_278 = tpu.memref_slice %run_scoped3A[%rem3A_199, %parallel_loop3A_276, %parallel_loop3A_277] : memref<2x8x200xi32, #tpu.memory_space<vmem>> -> memref<1x8x200xi32, #tpu.memory_space<vmem>>
          %parallel_loop3A_279 = tpu.memref_squeeze %parallel_loop3A_278 : memref<1x8x200xi32, #tpu.memory_space<vmem>> -> memref<8x200xi32, #tpu.memory_space<vmem>>
          %parallel_loop3A_280 = arith.index_cast %parallel_loop3A_275 : i32 to index
          %parallel_loop3A_281 = arith.constant 0 : index
          %parallel_loop3A_282 = tpu.vector_load %parallel_loop3A_279[%parallel_loop3A_280, %parallel_loop3A_281] {strides = array<i32>} : memref<8x200xi32, #tpu.memory_space<vmem>>, vector<16xi32>,
          %parallel_loop3A_283 = tpu.vector_load_idx %arg5[%parallel_loop3A_282] : memref<128xf32, #tpu.memory_space<vmem>>[vector<16xi32>], vector<16xf32>,
          %parallel_loop3A_284 = arith.constant 0 : i32
          %parallel_loop3A_285 = arith.constant 0 : i32
          %parallel_loop3A_286 = tpu.memref_slice %run_scoped3A_8[%rem3A_201, %parallel_loop3A_284, %parallel_loop3A_285] : memref<2x8x200xf32, #tpu.memory_space<vmem>> -> memref<1x8x200xf32, #tpu.memory_space<vmem>>
          %parallel_loop3A_287 = tpu.memref_squeeze %parallel_loop3A_286 : memref<1x8x200xf32, #tpu.memory_space<vmem>> -> memref<8x200xf32, #tpu.memory_space<vmem>>
          %parallel_loop3A_288 = arith.index_cast %parallel_loop3A_275 : i32 to index
          %parallel_loop3A_289 = arith.constant 0 : index
          %parallel_loop3A_290 = tpu.vector_load %parallel_loop3A_287[%parallel_loop3A_288, %parallel_loop3A_289] {strides = array<i32>} : memref<8x200xf32, #tpu.memory_space<vmem>>, vector<16xf32>,
          tpu.vector_store %parallel_loop3A_287[%parallel_loop3A_288, %parallel_loop3A_289], %parallel_loop3A_283 {strides = array<i32>} : memref<8x200xf32, #tpu.memory_space<vmem>>, vector<16xf32>,
          %parallel_loop3A_291 = arith.constant 0 : i32
          %parallel_loop3A_292 = arith.constant 0 : i32
          %parallel_loop3A_293 = tpu.memref_slice %run_scoped3A[%rem3A_199, %parallel_loop3A_291, %parallel_loop3A_292] : memref<2x8x200xi32, #tpu.memory_space<vmem>> -> memref<1x8x200xi32, #tpu.memory_space<vmem>>
          %parallel_loop3A_294 = tpu.memref_squeeze %parallel_loop3A_293 : memref<1x8x200xi32, #tpu.memory_space<vmem>> -> memref<8x200xi32, #tpu.memory_space<vmem>>
          %parallel_loop3A_295 = arith.index_cast %parallel_loop3A_275 : i32 to index
          %parallel_loop3A_296 = arith.constant 16 : index
          %parallel_loop3A_297 = tpu.vector_load %parallel_loop3A_294[%parallel_loop3A_295, %parallel_loop3A_296] {strides = array<i32>} : memref<8x200xi32, #tpu.memory_space<vmem>>, vector<16xi32>,
          %parallel_loop3A_298 = tpu.vector_load_idx %arg5[%parallel_loop3A_297] : memref<128xf32, #tpu.memory_space<vmem>>[vector<16xi32>], vector<16xf32>,
          %parallel_loop3A_299 = arith.constant 0 : i32
          %parallel_loop3A_300 = arith.constant 0 : i32
          %parallel_loop3A_301 = tpu.memref_slice %run_scoped3A_8[%rem3A_201, %parallel_loop3A_299, %parallel_loop3A_300] : memref<2x8x200xf32, #tpu.memory_space<vmem>> -> memref<1x8x200xf32, #tpu.memory_space<vmem>>
          %parallel_loop3A_302 = tpu.memref_squeeze %parallel_loop3A_301 : memref<1x8x200xf32, #tpu.memory_space<vmem>> -> memref<8x200xf32, #tpu.memory_space<vmem>>
          %parallel_loop3A_303 = arith.index_cast %parallel_loop3A_275 : i32 to index
          %parallel_loop3A_304 = arith.constant 16 : index
          %parallel_loop3A_305 = tpu.vector_load %parallel_loop3A_302[%parallel_loop3A_303, %parallel_loop3A_304] {strides = array<i32>} : memref<8x200xf32, #tpu.memory_space<vmem>>, vector<16xf32>,
          tpu.vector_store %parallel_loop3A_302[%parallel_loop3A_303, %parallel_loop3A_304], %parallel_loop3A_298 {strides = array<i32>} : memref<8x200xf32, #tpu.memory_space<vmem>>, vector<16xf32>,
          %parallel_loop3A_306 = arith.constant 0 : i32
          %parallel_loop3A_307 = arith.constant 0 : i32
          %parallel_loop3A_308 = tpu.memref_slice %run_scoped3A[%rem3A_199, %parallel_loop3A_306, %parallel_loop3A_307] : memref<2x8x200xi32, #tpu.memory_space<vmem>> -> memref<1x8x200xi32, #tpu.memory_space<vmem>>
          %parallel_loop3A_309 = tpu.memref_squeeze %parallel_loop3A_308 : memref<1x8x200xi32, #tpu.memory_space<vmem>> -> memref<8x200xi32, #tpu.memory_space<vmem>>
          %parallel_loop3A_310 = arith.index_cast %parallel_loop3A_275 : i32 to index
          %parallel_loop3A_311 = arith.constant 32 : index
          %parallel_loop3A_312 = tpu.vector_load %parallel_loop3A_309[%parallel_loop3A_310, %parallel_loop3A_311] {strides = array<i32>} : memref<8x200xi32, #tpu.memory_space<vmem>>, vector<16xi32>,
          %parallel_loop3A_313 = tpu.vector_load_idx %arg5[%parallel_loop3A_312] : memref<128xf32, #tpu.memory_space<vmem>>[vector<16xi32>], vector<16xf32>,
          %parallel_loop3A_314 = arith.constant 0 : i32
          %parallel_loop3A_315 = arith.constant 0 : i32
          %parallel_loop3A_316 = tpu.memref_slice %run_scoped3A_8[%rem3A_201, %parallel_loop3A_314, %parallel_loop3A_315] : memref<2x8x200xf32, #tpu.memory_space<vmem>> -> memref<1x8x200xf32, #tpu.memory_space<vmem>>
          %parallel_loop3A_317 = tpu.memref_squeeze %parallel_loop3A_316 : memref<1x8x200xf32, #tpu.memory_space<vmem>> -> memref<8x200xf32, #tpu.memory_space<vmem>>
          %parallel_loop3A_318 = arith.index_cast %parallel_loop3A_275 : i32 to index
          %parallel_loop3A_319 = arith.constant 32 : index
          %parallel_loop3A_320 = tpu.vector_load %parallel_loop3A_317[%parallel_loop3A_318, %parallel_loop3A_319] {strides = array<i32>} : memref<8x200xf32, #tpu.memory_space<vmem>>, vector<16xf32>,
          tpu.vector_store %parallel_loop3A_317[%parallel_loop3A_318, %parallel_loop3A_319], %parallel_loop3A_313 {strides = array<i32>} : memref<8x200xf32, #tpu.memory_space<vmem>>, vector<16xf32>,
          %parallel_loop3A_321 = arith.constant 0 : i32
          %parallel_loop3A_322 = arith.constant 0 : i32
          %parallel_loop3A_323 = tpu.memref_slice %run_scoped3A[%rem3A_199, %parallel_loop3A_321, %parallel_loop3A_322] : memref<2x8x200xi32, #tpu.memory_space<vmem>> -> memref<1x8x200xi32, #tpu.memory_space<vmem>>
          %parallel_loop3A_324 = tpu.memref_squeeze %parallel_loop3A_323 : memref<1x8x200xi32, #tpu.memory_space<vmem>> -> memref<8x200xi32, #tpu.memory_space<vmem>>
          %parallel_loop3A_325 = arith.index_cast %parallel_loop3A_275 : i32 to index
          %parallel_loop3A_326 = arith.constant 48 : index
          %parallel_loop3A_327 = tpu.vector_load %parallel_loop3A_324[%parallel_loop3A_325, %parallel_loop3A_326] {strides = array<i32>} : memref<8x200xi32, #tpu.memory_space<vmem>>, vector<16xi32>,
          %parallel_loop3A_328 = tpu.vector_load_idx %arg5[%parallel_loop3A_327] : memref<128xf32, #tpu.memory_space<vmem>>[vector<16xi32>], vector<16xf32>,
          %parallel_loop3A_329 = arith.constant 0 : i32
          %parallel_loop3A_330 = arith.constant 0 : i32
          %parallel_loop3A_331 = tpu.memref_slice %run_scoped3A_8[%rem3A_201, %parallel_loop3A_329, %parallel_loop3A_330] : memref<2x8x200xf32, #tpu.memory_space<vmem>> -> memref<1x8x200xf32, #tpu.memory_space<vmem>>
          %parallel_loop3A_332 = tpu.memref_squeeze %parallel_loop3A_331 : memref<1x8x200xf32, #tpu.memory_space<vmem>> -> memref<8x200xf32, #tpu.memory_space<vmem>>
          %parallel_loop3A_333 = arith.index_cast %parallel_loop3A_275 : i32 to index
          %parallel_loop3A_334 = arith.constant 48 : index
          %parallel_loop3A_335 = tpu.vector_load %parallel_loop3A_332[%parallel_loop3A_333, %parallel_loop3A_334] {strides = array<i32>} : memref<8x200xf32, #tpu.memory_space<vmem>>, vector<16xf32>,
          tpu.vector_store %parallel_loop3A_332[%parallel_loop3A_333, %parallel_loop3A_334], %parallel_loop3A_328 {strides = array<i32>} : memref<8x200xf32, #tpu.memory_space<vmem>>, vector<16xf32>,
          %parallel_loop3A_336 = arith.constant 0 : i32
          %parallel_loop3A_337 = arith.constant 0 : i32
          %parallel_loop3A_338 = tpu.memref_slice %run_scoped3A[%rem3A_199, %parallel_loop3A_336, %parallel_loop3A_337] : memref<2x8x200xi32, #tpu.memory_space<vmem>> -> memref<1x8x200xi32, #tpu.memory_space<vmem>>
          %parallel_loop3A_339 = tpu.memref_squeeze %parallel_loop3A_338 : memref<1x8x200xi32, #tpu.memory_space<vmem>> -> memref<8x200xi32, #tpu.memory_space<vmem>>
          %parallel_loop3A_340 = arith.index_cast %parallel_loop3A_275 : i32 to index
          %parallel_loop3A_341 = arith.constant 64 : index
          %parallel_loop3A_342 = tpu.vector_load %parallel_loop3A_339[%parallel_loop3A_340, %parallel_loop3A_341] {strides = array<i32>} : memref<8x200xi32, #tpu.memory_space<vmem>>, vector<16xi32>,
          %parallel_loop3A_343 = tpu.vector_load_idx %arg5[%parallel_loop3A_342] : memref<128xf32, #tpu.memory_space<vmem>>[vector<16xi32>], vector<16xf32>,
          %parallel_loop3A_344 = arith.constant 0 : i32
          %parallel_loop3A_345 = arith.constant 0 : i32
          %parallel_loop3A_346 = tpu.memref_slice %run_scoped3A_8[%rem3A_201, %parallel_loop3A_344, %parallel_loop3A_345] : memref<2x8x200xf32, #tpu.memory_space<vmem>> -> memref<1x8x200xf32, #tpu.memory_space<vmem>>
          %parallel_loop3A_347 = tpu.memref_squeeze %parallel_loop3A_346 : memref<1x8x200xf32, #tpu.memory_space<vmem>> -> memref<8x200xf32, #tpu.memory_space<vmem>>
          %parallel_loop3A_348 = arith.index_cast %parallel_loop3A_275 : i32 to index
          %parallel_loop3A_349 = arith.constant 64 : index
          %parallel_loop3A_350 = tpu.vector_load %parallel_loop3A_347[%parallel_loop3A_348, %parallel_loop3A_349] {strides = array<i32>} : memref<8x200xf32, #tpu.memory_space<vmem>>, vector<16xf32>,
          tpu.vector_store %parallel_loop3A_347[%parallel_loop3A_348, %parallel_loop3A_349], %parallel_loop3A_343 {strides = array<i32>} : memref<8x200xf32, #tpu.memory_space<vmem>>, vector<16xf32>,
          %parallel_loop3A_351 = arith.constant 0 : i32
          %parallel_loop3A_352 = arith.constant 0 : i32
          %parallel_loop3A_353 = tpu.memref_slice %run_scoped3A[%rem3A_199, %parallel_loop3A_351, %parallel_loop3A_352] : memref<2x8x200xi32, #tpu.memory_space<vmem>> -> memref<1x8x200xi32, #tpu.memory_space<vmem>>
          %parallel_loop3A_354 = tpu.memref_squeeze %parallel_loop3A_353 : memref<1x8x200xi32, #tpu.memory_space<vmem>> -> memref<8x200xi32, #tpu.memory_space<vmem>>
          %parallel_loop3A_355 = arith.index_cast %parallel_loop3A_275 : i32 to index
          %parallel_loop3A_356 = arith.constant 80 : index
          %parallel_loop3A_357 = tpu.vector_load %parallel_loop3A_354[%parallel_loop3A_355, %parallel_loop3A_356] {strides = array<i32>} : memref<8x200xi32, #tpu.memory_space<vmem>>, vector<16xi32>,
          %parallel_loop3A_358 = tpu.vector_load_idx %arg5[%parallel_loop3A_357] : memref<128xf32, #tpu.memory_space<vmem>>[vector<16xi32>], vector<16xf32>,
          %parallel_loop3A_359 = arith.constant 0 : i32
          %parallel_loop3A_360 = arith.constant 0 : i32
          %parallel_loop3A_361 = tpu.memref_slice %run_scoped3A_8[%rem3A_201, %parallel_loop3A_359, %parallel_loop3A_360] : memref<2x8x200xf32, #tpu.memory_space<vmem>> -> memref<1x8x200xf32, #tpu.memory_space<vmem>>
          %parallel_loop3A_362 = tpu.memref_squeeze %parallel_loop3A_361 : memref<1x8x200xf32, #tpu.memory_space<vmem>> -> memref<8x200xf32, #tpu.memory_space<vmem>>
          %parallel_loop3A_363 = arith.index_cast %parallel_loop3A_275 : i32 to index
          %parallel_loop3A_364 = arith.constant 80 : index
          %parallel_loop3A_365 = tpu.vector_load %parallel_loop3A_362[%parallel_loop3A_363, %parallel_loop3A_364] {strides = array<i32>} : memref<8x200xf32, #tpu.memory_space<vmem>>, vector<16xf32>,
          tpu.vector_store %parallel_loop3A_362[%parallel_loop3A_363, %parallel_loop3A_364], %parallel_loop3A_358 {strides = array<i32>} : memref<8x200xf32, #tpu.memory_space<vmem>>, vector<16xf32>,
          %parallel_loop3A_366 = arith.constant 0 : i32
          %parallel_loop3A_367 = arith.constant 0 : i32
          %parallel_loop3A_368 = tpu.memref_slice %run_scoped3A[%rem3A_199, %parallel_loop3A_366, %parallel_loop3A_367] : memref<2x8x200xi32, #tpu.memory_space<vmem>> -> memref<1x8x200xi32, #tpu.memory_space<vmem>>
          %parallel_loop3A_369 = tpu.memref_squeeze %parallel_loop3A_368 : memref<1x8x200xi32, #tpu.memory_space<vmem>> -> memref<8x200xi32, #tpu.memory_space<vmem>>
          %parallel_loop3A_370 = arith.index_cast %parallel_loop3A_275 : i32 to index
          %parallel_loop3A_371 = arith.constant 96 : index
          %parallel_loop3A_372 = tpu.vector_load %parallel_loop3A_369[%parallel_loop3A_370, %parallel_loop3A_371] {strides = array<i32>} : memref<8x200xi32, #tpu.memory_space<vmem>>, vector<16xi32>,
          %parallel_loop3A_373 = tpu.vector_load_idx %arg5[%parallel_loop3A_372] : memref<128xf32, #tpu.memory_space<vmem>>[vector<16xi32>], vector<16xf32>,
          %parallel_loop3A_374 = arith.constant 0 : i32
          %parallel_loop3A_375 = arith.constant 0 : i32
          %parallel_loop3A_376 = tpu.memref_slice %run_scoped3A_8[%rem3A_201, %parallel_loop3A_374, %parallel_loop3A_375] : memref<2x8x200xf32, #tpu.memory_space<vmem>> -> memref<1x8x200xf32, #tpu.memory_space<vmem>>
          %parallel_loop3A_377 = tpu.memref_squeeze %parallel_loop3A_376 : memref<1x8x200xf32, #tpu.memory_space<vmem>> -> memref<8x200xf32, #tpu.memory_space<vmem>>
          %parallel_loop3A_378 = arith.index_cast %parallel_loop3A_275 : i32 to index
          %parallel_loop3A_379 = arith.constant 96 : index
          %parallel_loop3A_380 = tpu.vector_load %parallel_loop3A_377[%parallel_loop3A_378, %parallel_loop3A_379] {strides = array<i32>} : memref<8x200xf32, #tpu.memory_space<vmem>>, vector<16xf32>,
          tpu.vector_store %parallel_loop3A_377[%parallel_loop3A_378, %parallel_loop3A_379], %parallel_loop3A_373 {strides = array<i32>} : memref<8x200xf32, #tpu.memory_space<vmem>>, vector<16xf32>,
          %parallel_loop3A_381 = arith.constant 0 : i32
          %parallel_loop3A_382 = arith.constant 0 : i32
          %parallel_loop3A_383 = tpu.memref_slice %run_scoped3A[%rem3A_199, %parallel_loop3A_381, %parallel_loop3A_382] : memref<2x8x200xi32, #tpu.memory_space<vmem>> -> memref<1x8x200xi32, #tpu.memory_space<vmem>>
          %parallel_loop3A_384 = tpu.memref_squeeze %parallel_loop3A_383 : memref<1x8x200xi32, #tpu.memory_space<vmem>> -> memref<8x200xi32, #tpu.memory_space<vmem>>
          %parallel_loop3A_385 = arith.index_cast %parallel_loop3A_275 : i32 to index
          %parallel_loop3A_386 = arith.constant 112 : index
          %parallel_loop3A_387 = tpu.vector_load %parallel_loop3A_384[%parallel_loop3A_385, %parallel_loop3A_386] {strides = array<i32>} : memref<8x200xi32, #tpu.memory_space<vmem>>, vector<16xi32>,
          %parallel_loop3A_388 = tpu.vector_load_idx %arg5[%parallel_loop3A_387] : memref<128xf32, #tpu.memory_space<vmem>>[vector<16xi32>], vector<16xf32>,
          %parallel_loop3A_389 = arith.constant 0 : i32
          %parallel_loop3A_390 = arith.constant 0 : i32
          %parallel_loop3A_391 = tpu.memref_slice %run_scoped3A_8[%rem3A_201, %parallel_loop3A_389, %parallel_loop3A_390] : memref<2x8x200xf32, #tpu.memory_space<vmem>> -> memref<1x8x200xf32, #tpu.memory_space<vmem>>
          %parallel_loop3A_392 = tpu.memref_squeeze %parallel_loop3A_391 : memref<1x8x200xf32, #tpu.memory_space<vmem>> -> memref<8x200xf32, #tpu.memory_space<vmem>>
          %parallel_loop3A_393 = arith.index_cast %parallel_loop3A_275 : i32 to index
          %parallel_loop3A_394 = arith.constant 112 : index
          %parallel_loop3A_395 = tpu.vector_load %parallel_loop3A_392[%parallel_loop3A_393, %parallel_loop3A_394] {strides = array<i32>} : memref<8x200xf32, #tpu.memory_space<vmem>>, vector<16xf32>,
          tpu.vector_store %parallel_loop3A_392[%parallel_loop3A_393, %parallel_loop3A_394], %parallel_loop3A_388 {strides = array<i32>} : memref<8x200xf32, #tpu.memory_space<vmem>>, vector<16xf32>,
          %parallel_loop3A_396 = arith.constant 0 : i32
          %parallel_loop3A_397 = arith.constant 0 : i32
          %parallel_loop3A_398 = tpu.memref_slice %run_scoped3A[%rem3A_199, %parallel_loop3A_396, %parallel_loop3A_397] : memref<2x8x200xi32, #tpu.memory_space<vmem>> -> memref<1x8x200xi32, #tpu.memory_space<vmem>>
          %parallel_loop3A_399 = tpu.memref_squeeze %parallel_loop3A_398 : memref<1x8x200xi32, #tpu.memory_space<vmem>> -> memref<8x200xi32, #tpu.memory_space<vmem>>
          %parallel_loop3A_400 = arith.index_cast %parallel_loop3A_275 : i32 to index
          %parallel_loop3A_401 = arith.constant 128 : index
          %parallel_loop3A_402 = tpu.vector_load %parallel_loop3A_399[%parallel_loop3A_400, %parallel_loop3A_401] {strides = array<i32>} : memref<8x200xi32, #tpu.memory_space<vmem>>, vector<16xi32>,
          %parallel_loop3A_403 = tpu.vector_load_idx %arg5[%parallel_loop3A_402] : memref<128xf32, #tpu.memory_space<vmem>>[vector<16xi32>], vector<16xf32>,
          %parallel_loop3A_404 = arith.constant 0 : i32
          %parallel_loop3A_405 = arith.constant 0 : i32
          %parallel_loop3A_406 = tpu.memref_slice %run_scoped3A_8[%rem3A_201, %parallel_loop3A_404, %parallel_loop3A_405] : memref<2x8x200xf32, #tpu.memory_space<vmem>> -> memref<1x8x200xf32, #tpu.memory_space<vmem>>
          %parallel_loop3A_407 = tpu.memref_squeeze %parallel_loop3A_406 : memref<1x8x200xf32, #tpu.memory_space<vmem>> -> memref<8x200xf32, #tpu.memory_space<vmem>>
          %parallel_loop3A_408 = arith.index_cast %parallel_loop3A_275 : i32 to index
          %parallel_loop3A_409 = arith.constant 128 : index
          %parallel_loop3A_410 = tpu.vector_load %parallel_loop3A_407[%parallel_loop3A_408, %parallel_loop3A_409] {strides = array<i32>} : memref<8x200xf32, #tpu.memory_space<vmem>>, vector<16xf32>,
          tpu.vector_store %parallel_loop3A_407[%parallel_loop3A_408, %parallel_loop3A_409], %parallel_loop3A_403 {strides = array<i32>} : memref<8x200xf32, #tpu.memory_space<vmem>>, vector<16xf32>,
          %parallel_loop3A_411 = arith.constant 0 : i32
          %parallel_loop3A_412 = arith.constant 0 : i32
          %parallel_loop3A_413 = tpu.memref_slice %run_scoped3A[%rem3A_199, %parallel_loop3A_411, %parallel_loop3A_412] : memref<2x8x200xi32, #tpu.memory_space<vmem>> -> memref<1x8x200xi32, #tpu.memory_space<vmem>>
          %parallel_loop3A_414 = tpu.memref_squeeze %parallel_loop3A_413 : memref<1x8x200xi32, #tpu.memory_space<vmem>> -> memref<8x200xi32, #tpu.memory_space<vmem>>
          %parallel_loop3A_415 = arith.index_cast %parallel_loop3A_275 : i32 to index
          %parallel_loop3A_416 = arith.constant 144 : index
          %parallel_loop3A_417 = tpu.vector_load %parallel_loop3A_414[%parallel_loop3A_415, %parallel_loop3A_416] {strides = array<i32>} : memref<8x200xi32, #tpu.memory_space<vmem>>, vector<16xi32>,
          %parallel_loop3A_418 = tpu.vector_load_idx %arg5[%parallel_loop3A_417] : memref<128xf32, #tpu.memory_space<vmem>>[vector<16xi32>], vector<16xf32>,
          %parallel_loop3A_419 = arith.constant 0 : i32
          %parallel_loop3A_420 = arith.constant 0 : i32
          %parallel_loop3A_421 = tpu.memref_slice %run_scoped3A_8[%rem3A_201, %parallel_loop3A_419, %parallel_loop3A_420] : memref<2x8x200xf32, #tpu.memory_space<vmem>> -> memref<1x8x200xf32, #tpu.memory_space<vmem>>
          %parallel_loop3A_422 = tpu.memref_squeeze %parallel_loop3A_421 : memref<1x8x200xf32, #tpu.memory_space<vmem>> -> memref<8x200xf32, #tpu.memory_space<vmem>>
          %parallel_loop3A_423 = arith.index_cast %parallel_loop3A_275 : i32 to index
          %parallel_loop3A_424 = arith.constant 144 : index
          %parallel_loop3A_425 = tpu.vector_load %parallel_loop3A_422[%parallel_loop3A_423, %parallel_loop3A_424] {strides = array<i32>} : memref<8x200xf32, #tpu.memory_space<vmem>>, vector<16xf32>,
          tpu.vector_store %parallel_loop3A_422[%parallel_loop3A_423, %parallel_loop3A_424], %parallel_loop3A_418 {strides = array<i32>} : memref<8x200xf32, #tpu.memory_space<vmem>>, vector<16xf32>,
          %parallel_loop3A_426 = arith.constant 0 : i32
          %parallel_loop3A_427 = arith.constant 0 : i32
          %parallel_loop3A_428 = tpu.memref_slice %run_scoped3A[%rem3A_199, %parallel_loop3A_426, %parallel_loop3A_427] : memref<2x8x200xi32, #tpu.memory_space<vmem>> -> memref<1x8x200xi32, #tpu.memory_space<vmem>>
          %parallel_loop3A_429 = tpu.memref_squeeze %parallel_loop3A_428 : memref<1x8x200xi32, #tpu.memory_space<vmem>> -> memref<8x200xi32, #tpu.memory_space<vmem>>
          %parallel_loop3A_430 = arith.index_cast %parallel_loop3A_275 : i32 to index
          %parallel_loop3A_431 = arith.constant 160 : index
          %parallel_loop3A_432 = tpu.vector_load %parallel_loop3A_429[%parallel_loop3A_430, %parallel_loop3A_431] {strides = array<i32>} : memref<8x200xi32, #tpu.memory_space<vmem>>, vector<16xi32>,
          %parallel_loop3A_433 = tpu.vector_load_idx %arg5[%parallel_loop3A_432] : memref<128xf32, #tpu.memory_space<vmem>>[vector<16xi32>], vector<16xf32>,
          %parallel_loop3A_434 = arith.constant 0 : i32
          %parallel_loop3A_435 = arith.constant 0 : i32
          %parallel_loop3A_436 = tpu.memref_slice %run_scoped3A_8[%rem3A_201, %parallel_loop3A_434, %parallel_loop3A_435] : memref<2x8x200xf32, #tpu.memory_space<vmem>> -> memref<1x8x200xf32, #tpu.memory_space<vmem>>
          %parallel_loop3A_437 = tpu.memref_squeeze %parallel_loop3A_436 : memref<1x8x200xf32, #tpu.memory_space<vmem>> -> memref<8x200xf32, #tpu.memory_space<vmem>>
          %parallel_loop3A_438 = arith.index_cast %parallel_loop3A_275 : i32 to index
          %parallel_loop3A_439 = arith.constant 160 : index
          %parallel_loop3A_440 = tpu.vector_load %parallel_loop3A_437[%parallel_loop3A_438, %parallel_loop3A_439] {strides = array<i32>} : memref<8x200xf32, #tpu.memory_space<vmem>>, vector<16xf32>,
          tpu.vector_store %parallel_loop3A_437[%parallel_loop3A_438, %parallel_loop3A_439], %parallel_loop3A_433 {strides = array<i32>} : memref<8x200xf32, #tpu.memory_space<vmem>>, vector<16xf32>,
          %parallel_loop3A_441 = arith.constant 0 : i32
          %parallel_loop3A_442 = arith.constant 0 : i32
          %parallel_loop3A_443 = tpu.memref_slice %run_scoped3A[%rem3A_199, %parallel_loop3A_441, %parallel_loop3A_442] : memref<2x8x200xi32, #tpu.memory_space<vmem>> -> memref<1x8x200xi32, #tpu.memory_space<vmem>>
          %parallel_loop3A_444 = tpu.memref_squeeze %parallel_loop3A_443 : memref<1x8x200xi32, #tpu.memory_space<vmem>> -> memref<8x200xi32, #tpu.memory_space<vmem>>
          %parallel_loop3A_445 = arith.index_cast %parallel_loop3A_275 : i32 to index
          %parallel_loop3A_446 = arith.constant 176 : index
          %parallel_loop3A_447 = tpu.vector_load %parallel_loop3A_444[%parallel_loop3A_445, %parallel_loop3A_446] {strides = array<i32>} : memref<8x200xi32, #tpu.memory_space<vmem>>, vector<16xi32>,
          %parallel_loop3A_448 = tpu.vector_load_idx %arg5[%parallel_loop3A_447] : memref<128xf32, #tpu.memory_space<vmem>>[vector<16xi32>], vector<16xf32>,
          %parallel_loop3A_449 = arith.constant 0 : i32
          %parallel_loop3A_450 = arith.constant 0 : i32
          %parallel_loop3A_451 = tpu.memref_slice %run_scoped3A_8[%rem3A_201, %parallel_loop3A_449, %parallel_loop3A_450] : memref<2x8x200xf32, #tpu.memory_space<vmem>> -> memref<1x8x200xf32, #tpu.memory_space<vmem>>
          %parallel_loop3A_452 = tpu.memref_squeeze %parallel_loop3A_451 : memref<1x8x200xf32, #tpu.memory_space<vmem>> -> memref<8x200xf32, #tpu.memory_space<vmem>>
          %parallel_loop3A_453 = arith.index_cast %parallel_loop3A_275 : i32 to index
          %parallel_loop3A_454 = arith.constant 176 : index
          %parallel_loop3A_455 = tpu.vector_load %parallel_loop3A_452[%parallel_loop3A_453, %parallel_loop3A_454] {strides = array<i32>} : memref<8x200xf32, #tpu.memory_space<vmem>>, vector<16xf32>,
          tpu.vector_store %parallel_loop3A_452[%parallel_loop3A_453, %parallel_loop3A_454], %parallel_loop3A_448 {strides = array<i32>} : memref<8x200xf32, #tpu.memory_space<vmem>>, vector<16xf32>,
          %parallel_loop3A_456 = arith.constant 0 : i32
          %parallel_loop3A_457 = arith.constant 0 : i32
          %parallel_loop3A_458 = tpu.memref_slice %run_scoped3A[%rem3A_199, %parallel_loop3A_456, %parallel_loop3A_457] : memref<2x8x200xi32, #tpu.memory_space<vmem>> -> memref<1x8x200xi32, #tpu.memory_space<vmem>>
          %parallel_loop3A_459 = tpu.memref_squeeze %parallel_loop3A_458 : memref<1x8x200xi32, #tpu.memory_space<vmem>> -> memref<8x200xi32, #tpu.memory_space<vmem>>
          %parallel_loop3A_460 = arith.index_cast %parallel_loop3A_275 : i32 to index
          %parallel_loop3A_461 = arith.constant 184 : index
          %parallel_loop3A_462 = tpu.vector_load %parallel_loop3A_459[%parallel_loop3A_460, %parallel_loop3A_461] {strides = array<i32>} : memref<8x200xi32, #tpu.memory_space<vmem>>, vector<16xi32>,
          %parallel_loop3A_463 = tpu.vector_load_idx %arg5[%parallel_loop3A_462] : memref<128xf32, #tpu.memory_space<vmem>>[vector<16xi32>], vector<16xf32>,
          %parallel_loop3A_464 = arith.constant 0 : i32
          %parallel_loop3A_465 = arith.constant 0 : i32
          %parallel_loop3A_466 = tpu.memref_slice %run_scoped3A_8[%rem3A_201, %parallel_loop3A_464, %parallel_loop3A_465] : memref<2x8x200xf32, #tpu.memory_space<vmem>> -> memref<1x8x200xf32, #tpu.memory_space<vmem>>
          %parallel_loop3A_467 = tpu.memref_squeeze %parallel_loop3A_466 : memref<1x8x200xf32, #tpu.memory_space<vmem>> -> memref<8x200xf32, #tpu.memory_space<vmem>>
          %parallel_loop3A_468 = arith.index_cast %parallel_loop3A_275 : i32 to index
          %parallel_loop3A_469 = arith.constant 184 : index
          %parallel_loop3A_470 = tpu.vector_load %parallel_loop3A_467[%parallel_loop3A_468, %parallel_loop3A_469] {strides = array<i32>} : memref<8x200xf32, #tpu.memory_space<vmem>>, vector<16xf32>,
          tpu.vector_store %parallel_loop3A_467[%parallel_loop3A_468, %parallel_loop3A_469], %parallel_loop3A_463 {strides = array<i32>} : memref<8x200xf32, #tpu.memory_space<vmem>>, vector<16xf32>,
        } {sc.loop_unroll_factor = 2 : i64, sc.parallel_access}
        "tpu.trace_stop"() : () -> ()
        %ne3A_204 = arith.cmpi ne, %add3A_131, %add3A_149 : i32
        %or3A_205 = arith.constant false
        %or3A_206 = arith.ori %or3A_205, %ne3A_204 : i1
        %or3A_207 = arith.constant false
        %or3A_208 = arith.ori %or3A_206, %or3A_207 : i1
        %or3A_209 = arith.ori %or3A_208, %eq3A_130 : i1
        %convert_element_type3A_210 = arith.extui %or3A_209 : i1 to i32
        %cond3A_211 = arith.constant 0 : i32
        %cond3A_212 = arith.cmpi ne, %convert_element_type3A_210, %cond3A_211 : i32
        scf.if %cond3A_212 {
        } else {
        }
        %and3A_213 = arith.constant false
        %and3A_214 = arith.andi %or3A_209, %and3A_213 : i1
        %ne3A_215 = arith.cmpi ne, %add3A_131, %add3A_149 : i32
        %or3A_216 = arith.constant false
        %or3A_217 = arith.ori %or3A_216, %ne3A_215 : i1
        %or3A_218 = arith.constant false
        %or3A_219 = arith.ori %or3A_217, %or3A_218 : i1
        %or3A_220 = arith.ori %or3A_219, %eq3A_130 : i1
        %convert_element_type3A_221 = arith.extui %or3A_220 : i1 to i32
        %cond3A_222 = arith.constant 0 : i32
        %cond3A_223 = arith.cmpi ne, %convert_element_type3A_221, %cond3A_222 : i32
        scf.if %cond3A_223 {
          "tpu.trace_start"() <{level = 10 : i32, message = "ep_copy_out"}> : () -> ()
          %rem3A_275 = arith.constant 2 : i32
          %rem3A_276 = arith.remui %scan3A_124, %rem3A_275 : i32
          %mul3A_277 = arith.constant 8 : i32
          %mul3A_278 = arith.muli %mul3A_277, %add3A_131 : i32
          %dma_start3A_279 = arith.constant 0 : i32
          %dma_start3A_280 = arith.constant 0 : i32
          %dma_start3A_281 = tpu.memref_slice %run_scoped3A_8[%rem3A_276, %dma_start3A_279, %dma_start3A_280] : memref<2x8x200xf32, #tpu.memory_space<vmem>> -> memref<1x8x200xf32, #tpu.memory_space<vmem>>
          %dma_start3A_282 = tpu.memref_squeeze %dma_start3A_281 : memref<1x8x200xf32, #tpu.memory_space<vmem>> -> memref<8x200xf32, #tpu.memory_space<vmem>>
          %dma_start3A_283 = arith.constant 0 : i32
          %dma_start3A_284 = tpu.memref_slice %arg4[%mul3A_278, %dma_start3A_283] : memref<1024x200xf32, #tpu.memory_space<hbm>> -> memref<8x200xf32, #tpu.memory_space<hbm>>
          %dma_start3A_285 = tpu.memref_slice %run_scoped3A_9[%rem3A_276] : memref<2x!tpu.dma_semaphore, #tpu.memory_space<semaphore_mem>> -> memref<1x!tpu.dma_semaphore, #tpu.memory_space<semaphore_mem>>
          %dma_start3A_286 = tpu.memref_squeeze %dma_start3A_285 : memref<1x!tpu.dma_semaphore, #tpu.memory_space<semaphore_mem>> -> memref<!tpu.dma_semaphore, #tpu.memory_space<semaphore_mem>>
          %dma_start3A_287 = arith.constant 0 : i32
          %dma_start3A_288 = tpu.memref_slice %arg4[%mul3A_278, %dma_start3A_287] : memref<1024x200xf32, #tpu.memory_space<hbm>> -> memref<8x200xf32, #tpu.memory_space<hbm>>
          %dma_start3A_289 = arith.constant 0 : i32
          %dma_start3A_290 = arith.constant 0 : i32
          %dma_start3A_291 = tpu.memref_slice %run_scoped3A_8[%rem3A_276, %dma_start3A_289, %dma_start3A_290] : memref<2x8x200xf32, #tpu.memory_space<vmem>> -> memref<1x8x200xf32, #tpu.memory_space<vmem>>
          %dma_start3A_292 = tpu.memref_squeeze %dma_start3A_291 : memref<1x8x200xf32, #tpu.memory_space<vmem>> -> memref<8x200xf32, #tpu.memory_space<vmem>>
          tpu.enqueue_dma source(%dma_start3A_292 : memref<8x200xf32, #tpu.memory_space<vmem>>) target(%dma_start3A_288 : memref<8x200xf32, #tpu.memory_space<hbm>>) target_semaphore(%dma_start3A_286 : memref<!tpu.dma_semaphore, #tpu.memory_space<semaphore_mem>>)
          "tpu.trace_stop"() : () -> ()
        } else {
        }
        %and3A_224 = arith.constant true
        %and3A_225 = arith.andi %or3A_220, %and3A_224 : i1
        %add3A_226 = arith.constant 1 : i32
        %add3A_227 = arith.addi %scan3A_124, %add3A_226 : i32
        %select_n3A_228 = arith.select %and3A_225, %add3A_227, %scan3A_124 : i32
        %ne3A_229 = arith.cmpi ne, %add3A_131, %add3A_140 : i32
        %or3A_230 = arith.constant false
        %or3A_231 = arith.ori %or3A_230, %ne3A_229 : i1
        %or3A_232 = arith.constant false
        %or3A_233 = arith.ori %or3A_231, %or3A_232 : i1
        %not3A_234 = arith.constant true
        %not3A_235 = arith.xori %eq3A_128, %not3A_234 : i1
        %and3A_236 = arith.andi %or3A_233, %not3A_235 : i1
        %convert_element_type3A_237 = arith.extui %and3A_236 : i1 to i32
        %cond3A_238 = arith.constant 0 : i32
        %cond3A_239 = arith.cmpi ne, %convert_element_type3A_237, %cond3A_238 : i32
        scf.if %cond3A_239 {
        } else {
        }
        %and3A_240 = arith.constant false
        %and3A_241 = arith.andi %and3A_236, %and3A_240 : i1
        %ne3A_242 = arith.cmpi ne, %add3A_131, %add3A_140 : i32
        %or3A_243 = arith.constant false
        %or3A_244 = arith.ori %or3A_243, %ne3A_242 : i1
        %or3A_245 = arith.constant false
        %or3A_246 = arith.ori %or3A_244, %or3A_245 : i1
        %not3A_247 = arith.constant true
        %not3A_248 = arith.xori %eq3A_128, %not3A_247 : i1
        %and3A_249 = arith.andi %or3A_246, %not3A_248 : i1
        %convert_element_type3A_250 = arith.extui %and3A_249 : i1 to i32
        %cond3A_251 = arith.constant 0 : i32
        %cond3A_252 = arith.cmpi ne, %convert_element_type3A_250, %cond3A_251 : i32
        scf.if %cond3A_252 {
          "tpu.trace_start"() <{level = 10 : i32, message = "ep_wait_out"}> : () -> ()
          %rem3A_275 = arith.constant 2 : i32
          %rem3A_276 = arith.remui %scan3A_125, %rem3A_275 : i32
          %mul3A_277 = arith.constant 8 : i32
          %mul3A_278 = arith.muli %mul3A_277, %add3A_140 : i32
          %dma_wait3A_279 = arith.constant 0 : i32
          %dma_wait3A_280 = arith.constant 0 : i32
          %dma_wait3A_281 = tpu.memref_slice %run_scoped3A_8[%rem3A_276, %dma_wait3A_279, %dma_wait3A_280] : memref<2x8x200xf32, #tpu.memory_space<vmem>> -> memref<1x8x200xf32, #tpu.memory_space<vmem>>
          %dma_wait3A_282 = tpu.memref_squeeze %dma_wait3A_281 : memref<1x8x200xf32, #tpu.memory_space<vmem>> -> memref<8x200xf32, #tpu.memory_space<vmem>>
          %dma_wait3A_283 = arith.constant 0 : i32
          %dma_wait3A_284 = tpu.memref_slice %arg4[%mul3A_278, %dma_wait3A_283] : memref<1024x200xf32, #tpu.memory_space<hbm>> -> memref<8x200xf32, #tpu.memory_space<hbm>>
          %dma_wait3A_285 = tpu.memref_slice %run_scoped3A_9[%rem3A_276] : memref<2x!tpu.dma_semaphore, #tpu.memory_space<semaphore_mem>> -> memref<1x!tpu.dma_semaphore, #tpu.memory_space<semaphore_mem>>
          %dma_wait3A_286 = tpu.memref_squeeze %dma_wait3A_285 : memref<1x!tpu.dma_semaphore, #tpu.memory_space<semaphore_mem>> -> memref<!tpu.dma_semaphore, #tpu.memory_space<semaphore_mem>>
          %dma_wait3A_287 = arith.constant 0 : i32
          %dma_wait3A_288 = tpu.memref_slice %arg4[%mul3A_278, %dma_wait3A_287] : memref<1024x200xf32, #tpu.memory_space<hbm>> -> memref<8x200xf32, #tpu.memory_space<hbm>>
          %dma_wait3A_289 = arith.constant 0 : i32
          %dma_wait3A_290 = arith.constant 0 : i32
          %dma_wait3A_291 = tpu.memref_slice %run_scoped3A_8[%rem3A_276, %dma_wait3A_289, %dma_wait3A_290] : memref<2x8x200xf32, #tpu.memory_space<vmem>> -> memref<1x8x200xf32, #tpu.memory_space<vmem>>
          %dma_wait3A_292 = tpu.memref_squeeze %dma_wait3A_291 : memref<1x8x200xf32, #tpu.memory_space<vmem>> -> memref<8x200xf32, #tpu.memory_space<vmem>>
          tpu.wait_dma2 semaphore(%dma_wait3A_286 : memref<!tpu.dma_semaphore, #tpu.memory_space<semaphore_mem>>) src(%dma_wait3A_292 : memref<8x200xf32, #tpu.memory_space<vmem>>) dst(%dma_wait3A_288 : memref<8x200xf32, #tpu.memory_space<hbm>>)
          "tpu.trace_stop"() : () -> ()
        } else {
        }
        %and3A_253 = arith.constant true
        %and3A_254 = arith.andi %and3A_249, %and3A_253 : i1
        %add3A_255 = arith.constant 1 : i32
        %add3A_256 = arith.addi %scan3A_125, %add3A_255 : i32
        %select_n3A_257 = arith.select %and3A_254, %add3A_256, %scan3A_125 : i32
        %ne3A_258 = arith.cmpi ne, %add3A_131, %add3A_149 : i32
        %or3A_259 = arith.constant false
        %or3A_260 = arith.ori %or3A_259, %ne3A_258 : i1
        %or3A_261 = arith.constant false
        %or3A_262 = arith.ori %or3A_260, %or3A_261 : i1
        %or3A_263 = arith.ori %or3A_262, %eq3A_130 : i1
        %add3A_264 = arith.constant 1 : i32
        %add3A_265 = arith.addi %scan3A_123, %add3A_264 : i32
        %select_n3A_266 = arith.select %or3A_263, %add3A_265, %scan3A_123 : i32
        %add3A_267 = arith.constant 1 : i32
        %add3A_268 = arith.addi %scan3A_126, %add3A_267 : i32
        %select_n3A_269 = arith.constant true
        %select_n3A_270 = arith.select %select_n3A_269, %add3A_268, %scan3A_126 : i32
        %eq3A_271 = arith.constant 4 : i32
        %eq3A_272 = arith.cmpi eq, %select_n3A_270, %eq3A_271 : i32
        %select_n3A_273 = arith.constant 0 : i32
        %select_n3A_274 = arith.select %eq3A_272, %select_n3A_273, %select_n3A_270 : i32
        scf.yield %select_n3A_169, %select_n3A_266, %select_n3A_228, %select_n3A_257, %select_n3A_274 : i32, i32, i32, i32, i32
      }
      %scan3A_68 = arith.constant 4 : i32
      %sub3A = arith.constant 1 : i32
      %sub3A_69 = arith.subi %scan3A_67#4, %sub3A : i32
      %select_n3A_70 = arith.constant true
      %select_n3A_71 = arith.select %select_n3A_70, %sub3A_69, %scan3A_67#4 : i32
      %eq3A_72 = arith.constant -1 : i32
      %eq3A_73 = arith.cmpi eq, %select_n3A_71, %eq3A_72 : i32
      %select_n3A_74 = arith.constant 3 : i32
      %select_n3A_75 = arith.select %eq3A_73, %select_n3A_74, %select_n3A_71 : i32
      %add3A_76 = arith.addi %select_n3A_75, %mul3A_6 : i32
      %sub3A_77 = arith.constant 1 : i32
      %sub3A_78 = arith.subi %select_n3A_75, %sub3A_77 : i32
      %select_n3A_79 = arith.constant true
      %select_n3A_80 = arith.select %select_n3A_79, %sub3A_78, %select_n3A_75 : i32
      %eq3A_81 = arith.constant -1 : i32
      %eq3A_82 = arith.cmpi eq, %select_n3A_80, %eq3A_81 : i32
      %select_n3A_83 = arith.constant 3 : i32
      %select_n3A_84 = arith.select %eq3A_82, %select_n3A_83, %select_n3A_80 : i32
      %add3A_85 = arith.addi %select_n3A_84, %mul3A_6 : i32
      %add3A_86 = arith.constant 1 : i32
      %add3A_87 = arith.addi %select_n3A_75, %add3A_86 : i32
      %select_n3A_88 = arith.constant true
      %select_n3A_89 = arith.select %select_n3A_88, %add3A_87, %select_n3A_75 : i32
      %eq3A_90 = arith.constant 4 : i32
      %eq3A_91 = arith.cmpi eq, %select_n3A_89, %eq3A_90 : i32
      %select_n3A_92 = arith.constant 0 : i32
      %select_n3A_93 = arith.select %eq3A_91, %select_n3A_92, %select_n3A_89 : i32
      %add3A_94 = arith.addi %select_n3A_93, %mul3A_6 : i32
      %add3A_95 = arith.constant 1 : i32
      %add3A_96 = arith.addi %select_n3A_93, %add3A_95 : i32
      %select_n3A_97 = arith.constant true
      %select_n3A_98 = arith.select %select_n3A_97, %add3A_96, %select_n3A_93 : i32
      %eq3A_99 = arith.constant 4 : i32
      %eq3A_100 = arith.cmpi eq, %select_n3A_98, %eq3A_99 : i32
      %select_n3A_101 = arith.constant 0 : i32
      %select_n3A_102 = arith.select %eq3A_100, %select_n3A_101, %select_n3A_98 : i32
      %add3A_103 = arith.addi %select_n3A_102, %mul3A_6 : i32
      "tpu.trace_start"() <{level = 10 : i32, message = "ep_finalize"}> : () -> ()
      %rem3A_104 = arith.constant 2 : i32
      %rem3A_105 = arith.remui %scan3A_67#3, %rem3A_104 : i32
      %mul3A_106 = arith.constant 8 : i32
      %mul3A_107 = arith.muli %mul3A_106, %add3A_76 : i32
      %dma_wait3A = arith.constant 0 : i32
      %dma_wait3A_108 = arith.constant 0 : i32
      %dma_wait3A_109 = tpu.memref_slice %run_scoped3A_8[%rem3A_105, %dma_wait3A, %dma_wait3A_108] : memref<2x8x200xf32, #tpu.memory_space<vmem>> -> memref<1x8x200xf32, #tpu.memory_space<vmem>>
      %dma_wait3A_110 = tpu.memref_squeeze %dma_wait3A_109 : memref<1x8x200xf32, #tpu.memory_space<vmem>> -> memref<8x200xf32, #tpu.memory_space<vmem>>
      %dma_wait3A_111 = arith.constant 0 : i32
      %dma_wait3A_112 = tpu.memref_slice %arg4[%mul3A_107, %dma_wait3A_111] : memref<1024x200xf32, #tpu.memory_space<hbm>> -> memref<8x200xf32, #tpu.memory_space<hbm>>
      %dma_wait3A_113 = tpu.memref_slice %run_scoped3A_9[%rem3A_105] : memref<2x!tpu.dma_semaphore, #tpu.memory_space<semaphore_mem>> -> memref<1x!tpu.dma_semaphore, #tpu.memory_space<semaphore_mem>>
      %dma_wait3A_114 = tpu.memref_squeeze %dma_wait3A_113 : memref<1x!tpu.dma_semaphore, #tpu.memory_space<semaphore_mem>> -> memref<!tpu.dma_semaphore, #tpu.memory_space<semaphore_mem>>
      %dma_wait3A_115 = arith.constant 0 : i32
      %dma_wait3A_116 = tpu.memref_slice %arg4[%mul3A_107, %dma_wait3A_115] : memref<1024x200xf32, #tpu.memory_space<hbm>> -> memref<8x200xf32, #tpu.memory_space<hbm>>
      %dma_wait3A_117 = arith.constant 0 : i32
      %dma_wait3A_118 = arith.constant 0 : i32
      %dma_wait3A_119 = tpu.memref_slice %run_scoped3A_8[%rem3A_105, %dma_wait3A_117, %dma_wait3A_118] : memref<2x8x200xf32, #tpu.memory_space<vmem>> -> memref<1x8x200xf32, #tpu.memory_space<vmem>>
      %dma_wait3A_120 = tpu.memref_squeeze %dma_wait3A_119 : memref<1x8x200xf32, #tpu.memory_space<vmem>> -> memref<8x200xf32, #tpu.memory_space<vmem>>
      tpu.wait_dma2 semaphore(%dma_wait3A_114 : memref<!tpu.dma_semaphore, #tpu.memory_space<semaphore_mem>>) src(%dma_wait3A_120 : memref<8x200xf32, #tpu.memory_space<vmem>>) dst(%dma_wait3A_116 : memref<8x200xf32, #tpu.memory_space<hbm>>)
      "tpu.trace_stop"() : () -> ()
      tpu.yield
    }) : () -> ()
    return
  }
}

module attributes {stable_mosaic.version = 14 : i64} {
  func.func @body(%arg0: i32, %arg1: memref<1024x200xi32, #tpu.memory_space<vmem>>, %arg2: memref<128xf32, #tpu.memory_space<vmem>>, %arg3: memref<1024x200xf32, #tpu.memory_space<vmem>>) attributes {dimension_semantics = [#tpu.dimension_semantics<arbitrary>], iteration_bounds = array<i64: 3>, scalar_prefetch = 0 : i64, scratch_operands = 0 : i64, tpu.core_type = #tpu.core_type<tc>, window_params = [{transform_indices = @transform_0, window_bounds = array<i64: 1024, 200>}, {pipeline_mode = #tpu.pipeline_mode<synchronous>, transform_indices = @transform_1, window_bounds = array<i64: 128>}, {transform_indices = @transform_2, window_bounds = array<i64: 1024, 200>}]} {
    %get3A = arith.constant 0 : index
    %get3A_0 = arith.constant 0 : index
    %get3A_1 = vector.load %arg1[%get3A, %get3A_0] : memref<1024x200xi32, #tpu.memory_space<vmem>>, vector<1024x200xi32>
    %jit3A = arith.constant 0 : i32
    %jit3A_2 = arith.constant 127 : i32
    %max3A = vector.broadcast %jit3A : i32 to vector<1024x200xi32>
    %max3A_3 = arith.maxsi %max3A, %get3A_1 : vector<1024x200xi32>
    %min3A = vector.broadcast %jit3A_2 : i32 to vector<1024x200xi32>
    %min3A_4 = arith.minsi %min3A, %max3A_3 : vector<1024x200xi32>
    %get3A_5 = arith.constant 0 : index
    %get3A_6 = vector.load %arg2[%get3A_5] : memref<128xf32, #tpu.memory_space<vmem>>, vector<128xf32>
    %broadcast_in_dim3A = vector.shape_cast %get3A_6 : vector<128xf32> to vector<1x128xf32>
    %broadcast_in_dim3A_7 = vector.shape_cast %broadcast_in_dim3A : vector<1x128xf32> to vector<1x128xf32>
    %broadcast_in_dim3A_8 = vector.broadcast %broadcast_in_dim3A_7 : vector<1x128xf32> to vector<1024x128xf32>
    %reshape3A = vector.shape_cast %min3A_4 : vector<1024x200xi32> to vector<1024x200x1xi32>
    %gather3A = vector.shape_cast %reshape3A : vector<1024x200x1xi32> to vector<1024x200xi32>
    %gather3A_9 = tpu.dynamic_gather %broadcast_in_dim3A_8[%gather3A] in [1] : vector<1024x128xf32>, vector<1024x200xi32> -> vector<1024x200xf32>
    %swap3A = arith.constant 0 : index
    %swap3A_10 = arith.constant 0 : index
    %swap3A_11 = vector.load %arg3[%swap3A, %swap3A_10] : memref<1024x200xf32, #tpu.memory_space<vmem>>, vector<1024x200xf32>
    tpu.vector_store %arg3[%swap3A, %swap3A_10], %gather3A_9 {strides = array<i32>} : memref<1024x200xf32, #tpu.memory_space<vmem>>, vector<1024x200xf32>,
    return
  }
  func.func @transform_0(%arg0: i32) -> (i32, i32) {
    %c0_i32 = arith.constant 0 : i32
    %c0_i32_0 = arith.constant 0 : i32
    return %arg0, %c0_i32 : i32, i32
  }
  func.func @transform_1(%arg0: i32) -> i32 {
    %c0_i32 = arith.constant 0 : i32
    %c0_i32_0 = arith.constant 0 : i32
    return %c0_i32 : i32
  }
  func.func @transform_2(%arg0: i32) -> (i32, i32) {
    %c0_i32 = arith.constant 0 : i32
    %c0_i32_0 = arith.constant 0 : i32
    return %arg0, %c0_i32 : i32, i32
  }
}

</mosaic_0001>

<sc_bundles>
// kernel: kernel.4.cloned.1.call-start
scs
__scs_entry_jumppad:
0x0: {  	(pc) =	sbr.rel $0x88, $3  }
0x1: {  	(tag) =	ssettag $0x0;
	lr =	simm.s32 $0x1  }
0x2: {  	[smem:$0x3F9F] =	sst lr;
	_ =	strace $0xD0000000  }
0x3: {  	_ = 	snop  }
0x4: {  	_ = 	snop  }
0x5: {  	_ = 	snop  }
0x6: {  	_ = 	snop  }
0x7: {  	_ = 	snop  }
__scs_overlays_trampoline_lowered:
0x8: {  	[smem:$0x3FAE] =	sst s0  }
0x9: {  	[smem:$0x3FAF] =	sst s1  }
0xa: {  	[smem:$0x3FB0] =	sst s2  }
0xb: {  	[smem:$0x3FB1] =	sst s3  }
0xc: {  	[smem:$0x3FB2] =	sst s4  }
0xd: {  	[smem:$0x3FB3] =	sst s5  }
0xe: {  	[smem:$0x3FB4] =	sst s6  }
0xf: {  	[smem:$0x3FB5] =	sst s7  }
0x10: {  	[smem:$0x3FB6] =	sst s8  }
0x11: {  	[smem:$0x3FB7] =	sst s9;
	s0 =	simm.s32 @!p0 $0x0  }
0x12: {  	s1 =	sld [smem:$0x3F9D];
	s0 =	simm.s32 @p0 $0x1  }
0x13: {  	[smem:$0x3FB8] =	sst s0;
	s0 =	simm.s32 @!p1 $0x0  }
0x14: {  	s2 =	sld [smem:$0x3F9C];
	s0 =	simm.s32 @p1 $0x1  }
0x15: {  	[smem:$0x3FB9] =	sst s0;
	s0 =	simm.s32 @!p2 $0x0  }
0x16: {  	s3 =	sld [smem:$0x3FDB];
	s0 =	simm.s32 @p2 $0x1  }
0x17: {  	s4 =	simm.s32 $0x1BF5;
	[smem:$0x3FBB] =	sst s0  }
0x18: {  	s0 =	sld [smem:$0x3F9E];
	_ =	swait.ge [sflag:s4], $0x0  }
0x19: {  	s7 =	sld [smem:$0x3F9F]  }
0x1a: {  	s8 =	sadd.s32 $0xFFFFE003, lr  }
0x1b: {  	s9 =	sadd.s32 $0xFFFFFEF7, lr;
	s5 =	simm.s32 $0xFFFFFFFF;
	p2 =	slt.u32 s8, $0xFFFFF086  }
0x1c: {  	p1 =	slt.u32 s9, $0xF7A;
	s5 =	simm.s32 @!p2 $0x0  }
0x1d: {  	s5 =	simm.s32 @p1 $0x1;
	p0 =	seq.s32 s7, s2  }
0x1e: {  	s7 =	smul.u32 @!p0 $0xF7A, s2;
	p2 =	seq.s32 @!p0 s5, $0x0  }
0x1f: {  	s9 =	smul.u32 $0xF7A, s1;
	s8 =	simm.s32 @!p0 $0x1BF5;
	p2 =	por !p2, p0  }
0x20: {  	[sflag:s8] =	ssyncset.s32 @!p0 $0xFFFFF086;
	s6 =	sadd.s32 @!p0 s3, s7;
	s7 =	simm.s32 @!p0 $0x108  }
0x21: {  	s3 =	sadd.s32 s3, s9;
	s6 =	sadd.s32 @!p0 $0x88, s6;
	s7 =	simm.s32 @p2 $0x1082  }
0x22: {  	[simem:s7], [sflag:s8] =	dma.local @!p0 [hbm:s6], $0xF7A  }
0x23: {  	s9 =	sor.u32 $0xD0000000, s2;
	s6 =	simm.s32 $0x108;
	_ =	swait.ge @!p0 [sflag:s8], $0x0  }
0x24: {  	s3 =	sadd.s32 $0x88, s3;
	s6 =	simm.s32 @!p1 $0x1082;
	[sflag:s4] =	ssyncset.s32 $0xFFFFF086  }
0x25: {  	[simem:s6], [sflag:s4] =	dma.local [hbm:s3], $0xF7A  }
0x26: {  	[smem:$0x3F9F] =	sst s1;
	(tag) =	ssettag s2;
	_ =	strace s9  }
0x27: {  	s1 =	sld [smem:$0x3FAF]  }
0x28: {  	s2 =	sld [smem:$0x3FB0]  }
0x29: {  	s4 =	sld [smem:$0x3FB2]  }
0x2a: {  	p0 =	seq.s32 s5, $0x0;
	s5 =	sld [smem:$0x3FB3]  }
0x2b: {  	s6 =	sld [smem:$0x3FB4]  }
0x2c: {  	s7 =	sld [smem:$0x3FB5]  }
0x2d: {  	s3 =	simm.s32 $0x108;
	s8 =	sld [smem:$0x3FB6]  }
0x2e: {  	s3 =	simm.s32 @!p0 $0x1082;
	s9 =	sld [smem:$0x3FB7]  }
0x2f: {  	lr =	sadd.s32 s0, s3;
	s0 =	sld [smem:$0x3FAE]  }
0x30: {  	s3 =	sld [smem:$0x3FB1]  }
0x31: {  	[smem:$0x3FBA] =	sst s10  }
0x32: {  	s10 =	sld [smem:$0x3FB8];
	_ =	sdelay $0x3  }
0x33: {  	p0 =	seq.s32 s10, $0x1;
	s10 =	sld [smem:$0x3FBA];
	_ =	sdelay $0x3  }
0x34: {  	[smem:$0x3FBA] =	sst s10  }
0x35: {  	s10 =	sld [smem:$0x3FB9];
	_ =	sdelay $0x3  }
0x36: {  	p1 =	seq.s32 s10, $0x1;
	s10 =	sld [smem:$0x3FBA];
	_ =	sdelay $0x3  }
0x37: {  	[smem:$0x3FBA] =	sst s10  }
0x38: {  	s10 =	sld [smem:$0x3FBB]  }
0x39: {  	_ = 	snop;
	(pc) =	sbr.ind lr, $3  }
0x3a: {  	_ = 	snop  }
0x3b: {  	_ = 	snop  }
0x3c: {  	p2 =	seq.s32 s10, $0x1;
	s10 =	sld [smem:$0x3FBA]  }
0x3d: {  	_ =	shalt  }
0x3e: {  	_ =	shalt  }
0x3f: {  	_ =	shalt  }
0x40: {  	_ =	shalt  }
0x41: {  	_ =	shalt  }
0x42: {  	_ =	shalt  }
0x43: {  	_ =	shalt  }
0x44: {  	_ =	shalt  }
0x45: {  	_ =	shalt  }
0x46: {  	_ =	shalt  }
0x47: {  	_ =	shalt  }
0x48: {  	_ =	shalt  }
0x49: {  	_ =	shalt  }
0x4a: {  	_ =	shalt  }
0x4b: {  	_ =	shalt  }
0x4c: {  	_ =	shalt  }
0x4d: {  	_ =	shalt  }
0x4e: {  	_ =	shalt  }
0x4f: {  	_ =	shalt  }
0x50: {  	_ =	shalt  }
0x51: {  	_ =	shalt  }
0x52: {  	_ =	shalt  }
0x53: {  	_ =	shalt  }
0x54: {  	_ =	shalt  }
0x55: {  	_ =	shalt  }
0x56: {  	_ =	shalt  }
0x57: {  	_ =	shalt  }
0x58: {  	_ =	shalt  }
0x59: {  	_ =	shalt  }
0x5a: {  	_ =	shalt  }
0x5b: {  	_ =	shalt  }
0x5c: {  	_ =	shalt  }
0x5d: {  	_ =	shalt  }
0x5e: {  	_ =	shalt  }
0x5f: {  	_ =	shalt  }
0x60: {  	_ =	shalt  }
0x61: {  	_ =	shalt  }
0x62: {  	_ =	shalt  }
0x63: {  	_ =	shalt  }
0x64: {  	_ =	shalt  }
0x65: {  	_ =	shalt  }
0x66: {  	_ =	shalt  }
0x67: {  	_ =	shalt  }
0x68: {  	_ =	shalt  }
0x69: {  	_ =	shalt  }
0x6a: {  	_ =	shalt  }
0x6b: {  	_ =	shalt  }
0x6c: {  	_ =	shalt  }
0x6d: {  	_ =	shalt  }
0x6e: {  	_ =	shalt  }
0x6f: {  	_ =	shalt  }
0x70: {  	_ =	shalt  }
0x71: {  	_ =	shalt  }
0x72: {  	_ =	shalt  }
0x73: {  	_ =	shalt  }
0x74: {  	_ =	shalt  }
0x75: {  	_ =	shalt  }
0x76: {  	_ =	shalt  }
0x77: {  	_ =	shalt  }
0x78: {  	_ =	shalt  }
0x79: {  	_ =	shalt  }
0x7a: {  	_ =	shalt  }
0x7b: {  	_ =	shalt  }
0x7c: {  	_ =	shalt  }
0x7d: {  	_ =	shalt  }
0x7e: {  	_ =	shalt  }
0x7f: {  	_ =	shalt  }
0x80: {  	_ =	shalt  }
0x81: {  	_ =	shalt  }
0x82: {  	_ =	shalt  }
0x83: {  	_ =	shalt  }
0x84: {  	_ =	shalt  }
0x85: {  	_ =	shalt  }
0x86: {  	_ =	shalt  }
0x87: {  	_ =	shalt  }
.Lfunc_end0:
.L_simem_size_0:
called_computation_lowered:
.L_overlay_start_0:
0x88: {  	s2 =	sld [smem:$0x3FD9]  }
0x89: {  	s3 =	sld [smem:$0x3FFE];
	_ =	sdelay $0x1  }
0x8a: {  	s1 =	srdreg.scid  }
0x8b: {  	s0 =	sand.u32 $0x1, s1  }
0x8c: {  	s17 =	sshll.u32 s0, $0xA;
	s2 =	sadd.s32 s3, s2  }
0x8d: {  	s2 =	sadd.s32 s2, s17  }
0x8e: {  	[smem:$0x3FC6] =	sst s2  }
0x8f: {  	_ = 	snop  }
0x90: {  	s2 =	sld [smem:$0x3FD0];
	(tm) =	ssettm $0x1  }
0x91: {  	s18 =	sld [smem:$0x3FFB];
	_ =	sdelay $0x3  }
0x92: {  	_ =	strace s18  }
0x93: {  	s3 =	sld [smem:$0x3FFC];
	_ =	sdelay $0x3  }
0x94: {  	_ =	strace s3  }
0x95: {  	s3 =	sld [smem:$0x3FFD];
	_ =	sdelay $0x3  }
0x96: {  	_ =	strace s3  }
0x97: {  	_ =	strace $0x8FFFFFFF  }
0x98: {  	s19 =	sld [smem:$0x3FDB];
	_ =	sdelay $0x1  }
0x99: {  	s4 =	simm.s32 $_scs_section_size  }
0x9a: {  	s5 =	simm.s32 $_size__tile_overlayer_lowered;
	s6 =	simm.s32 $_tile_overlayer_lowered  }
0x9b: {  	s22 =	simm.s32 $0x1BFF;
	s21 =	sshll.u32 s6, $0x1;
	s3 =	sadd.s32 s4, s19  }
0x9c: {  	s7 =	simm.s32 $0x0;
	s20 =	sshll.u32 s5, $0x1;
	s5 =	sadd.s32 s21, s3  }
0x9d: {  	[timem:s7], [sflag:s22] =	dma.local [hbm:s5], s20  }
0x9e: {  	_ =	swait.ge [sflag:s22], s20  }
0x9f: {  	s4 =	ssub.s32 $0x0, s20;
	[sflag:s22] =	ssyncset.done $0x0  }
0xa0: {  	[sflag:s22] =	ssyncadd.s32 s4;
	_ =	sdelay $0x1  }
0xa1: {  	s23 =	simm.s32 $0x1B8B  }
0xa2: {  	_ =	swait.ge [sflag:s23], $0x1  }
0xa3: {  	[sflag:s23] =	ssyncset.done $0x0  }
0xa4: {  	s25 =	simm.s32 $0x1B8E;
	s24 =	sld [smem:$0x3FFE];
	[sflag:s23] =	ssyncadd.s32 $0xFFFFFFFF  }
0xa5: {  	s26 =	simm.s32 $execute0_lowered;
	[smem:$0x3FD2] =	sst s25  }
0xa6: {  	s5 =	sshll.u32 s26, $0x1;
	_ =	strace $0x80000046;
	[dreg:$0x1] =	wrdreg $0xFFFFFFFF  }
0xa7: {  	s28 =	simm.s32 $_size_execute0_lowered;
	s3 =	sadd.s32 s3, s5;
	[dreg:$0x0] =	wrdreg $0x0  }
0xa8: {  	s5 =	sshll.u32 s28, $0x1;
	[dreg:$0x2] =	wrdreg s3  }
0xa9: {  	[dreg:$0x3] =	wrdreg s5  }
0xaa: {  	[dreg:$0x4] =	wrdreg $0xC0  }
0xab: {  	_ =	task [dreg:s7], $0x5FFFF  }
0xac: {  	[dreg:$0x1] =	wrdreg $0xFFFFFFFF  }
0xad: {  	[dreg:$0x0] =	wrdreg $0x60  }
0xae: {  	[dreg:$0x2] =	wrdreg s24  }
0xaf: {  	[dreg:$0x3] =	wrdreg s2  }
0xb0: {  	[dreg:$0x4] =	wrdreg $0x9  }
0xb1: {  	_ =	task.clear_ibuf [dreg:s7], $0x5FFFF;
	_ =	strace $0x90000046  }
0xb2: {  	s29 =	simm.s32 $0x9;
	_ =	strace $0x8000004F  }
0xb3: {  	_ =	swait.ge [sflag:s29], $0x1  }
0xb4: {  	[sflag:s29] =	ssyncadd.s32 $0xFFFFFFFF  }
0xb5: {  	_ =	strace $0x9000004F  }
0xb6: {  	_ =	sfence  }
0xb7: {  	s30 =	sld [smem:$0x0];
	_ =	sdelay $0x2  }
0xb8: {  	s31 =	sshll.u32 s1, $0xD;
	s1 =	sshrl.u32 s1, $0x2  }
0xb9: {  	s3 =	sand.u32 $0x4000, s31;
	s1 =	sadd.s32 s1, s30  }
0xba: {  	s0 =	sor.u32 s3, s0;
	s1 =	sshll.u32 s1, $0x11  }
0xbb: {  	s0 =	sor.u32 s1, s0  }
0xbc: {  	s0 =	sadd.s32 $0x8F2B, s0  }
0xbd: {  	[sflag:s0] =	ssyncadd.remote.s32 $0x1  }
0xbe: {  	_ =	sfence.sel $0xFFFF  }
0xbf: {  	[dreg:$0x0] =	wrdreg $0xFFFFFFFF;
	(pc) =	sbr.abs _section_cstart, $3  }
0xc0: {  	[dreg:$0x1] =	wrdreg $0xFFFFFFFF  }
0xc1: {  	_ =	task.clear_ibuf [dreg:s7], $0x2FFFF;
	_ =	strace $0x9FFFFFFF  }
0xc2: {  	(tm) =	ssettm $0x7FFFFFFF  }
0xc3: {  	_ =	shalt  }
tec
execute0_lowered:
.L_overlay_start_1:
0x0: {  	(tag) =	ssettag $0x1  }
0x1: {  	s5 =	rddreg [dreg:$0x0]  }
0x2: {  	s1 =	rddreg [dreg:$0x1]  }
0x3: {  	s0 =	rddreg [dreg:$0x2]  }
0x4: {  	s2 =	simm.s32 $0x0;
	s3 =	srdreg.scid;
	s10 =	simm.s32 $0x1  }
0x5: {  	s11 =	simm.s32 $0x4;
	s12 =	simm.s32 $0x0;
	[smem:$0x7FF] =	sst s2  }
0x6: {  	s4 =	sadd.s32 $0xC00, s5;
	s6 =	sand.u32 $0x1, s3;
	s3 =	stileid.u32  }
0x7: {  	s5 =	sadd.s32 $0xE00, s5;
	s7 =	ssub.s32 $0x2, s6;
	s6 =	sshll.u32 s6, $0x4  }
0x8: {  	_ =	strace $0x80000047;
	s8 =	sshrl.u32 s7, $0x1;
	s9 =	sor.u32 s3, s6  }
0x9: {  	s8 =	ssub.s32 s7, s8;
	s6 =	sshll.u32 s9, $0x2;
	s31 =	sshll.u32 s9, $0xA  }
0xa: {  	s9 =	simm.s32 $0x80;
	s7 =	sadd.s32 s1, s31;
	s8 =	smax.u32 s8, $0x1  }
.LBB2_1:
0xb: {  	[tilespmem:s2], [sflag:$0x1] =	stream.linear.gather [hbm4b:s4+s2], $0x80, $0x38;
	[tilespmem:$0x2080] =	vst v63  }
0xc: {  	_ =	swait.ge [sflag:s10], $0x80  }
0xd: {  	[sflag:s10] =	ssyncset.done $0x0  }
0xe: {  	s13 =	simm.s32 $0x0;
	s14 =	simm.s32 $0x0;
	[sflag:s10] =	ssyncadd.s32 $0xFFFFFF80  }
0xf: {  	s15 =	simm.s32 $0x0;
	s16 =	simm.s32 $0x0;
	_ =	strace $0x80000048  }
0x10: {  	[tilespmem:s9], [sflag:$0x1] =	stream.linear.gather [hbm4b:s7+s2], $0x800, $0x200038;
	[tilespmem:$0x2080] =	vst v63  }
0x11: {  	s17 =	simm.s32 $0x1;
	s18 =	simm.s32 $0x0;
	_ =	strace $0x90000048  }
.LBB2_2:
0x12: {  	s26 =	smov.u32 s13;
	s13 =	sadd.s32 $0x1, s13  }
0x13: {  	p0 =	seq.s32 s13, $0x4  }
0x14: {  	s13 =	simm.s32 @p0 $0x0  }
0x15: {  	p6 =	sne.s32 s18, $0x3;
	p1 =	sne.s32 s26, s13  }
0x16: {  	p0 =	por !p6, !p1  }
0x17: {  	p0 =	por !p0, !p0  }
0x18: {  	s20 =	sadd.s32 @p0 s6, s13  }
0x19: {  	s19 =	sand.u32 @p0 $0x1, s17;
	_ =	strace @p0 $0x80000049;
	s20 =	sshll.u32 @p0 s20, $0x8  }
0x1a: {  	s22 =	simm.s32 @p0 $0x0;
	s21 =	sshll.u32 @p0 s19, $0xB;
	s20 =	sand.u32 @p0 $0x1FFFFF00, s20  }
0x1b: {  	s19 =	sadd.s32 @p0 $0x1, s19;
	s21 =	sor.u32 @p0 $0x80, s21;
	s20 =	sadd.s32 @p0 s1, s20  }
0x1c: {  	[tilespmem:s21], [sflag:s19] =	stream.linear.gather @p0 [hbm4b:s20+s22], $0x800, $0x200038;
	[tilespmem:$0x2080] =	vst v63  }
0x1d: {  	s24 =	sand.u32 $0x1, s16;
	_ =	strace @p0 $0x90000049  }
0x1e: {  	s19 =	sadd.s32 $0x1, s24;
	_ =	strace $0x8000004A  }
0x1f: {  	_ =	swait.ge [sflag:s19], $0x800  }
0x20: {  	[sflag:s19] =	ssyncset.done $0x0  }
0x21: {  	s25 =	sshll.u32 s16, $0xB;
	[sflag:s19] =	ssyncadd.s32 $0xFFFFF800  }
0x22: {  	s19 =	sand.u32 $0x800, s25;
	_ =	strace $0x9000004A  }
0x23: {  	s21 =	sor.u32 $0x80, s19;
	_ =	strace $0x8000004B  }
0x24: {  	v0 =	vld [tilespmem:s21+$0x80];
	_ =	sdelay $0x6  }
0x25: {  	v1 =	vld [tilespmem:s21+$0x0]  }
0x26: {  	v0 =	vld.idx.msk [tilespmem:v0+s2+$0x0], $0xffff;
	_ =	sdelay $0x1  }
0x27: {  	s20 =	sand.u32 $0x1, s15  }
0x28: {  	s31 =	sshll.u32 s20, $0xB  }
0x29: {  	s19 =	sor.u32 $0x1080, s31  }
0x2a: {  	[tilespmem:s19+$0x80] =	vst v0  }
0x2b: {  	v0 =	vld [tilespmem:s21+$0x90]  }
0x2c: {  	v1 =	vld.idx.msk [tilespmem:v1+s2+$0x0], $0xffff;
	_ =	sdelay $0x4  }
0x2d: {  	[tilespmem:s19+$0x0] =	vst v1  }
0x2e: {  	v1 =	vld [tilespmem:s21+$0x10]  }
0x2f: {  	v0 =	vld.idx.msk [tilespmem:v0+s2+$0x0], $0xffff;
	_ =	sdelay $0x4  }
0x30: {  	[tilespmem:s19+$0x90] =	vst v0  }
0x31: {  	v0 =	vld [tilespmem:s21+$0xA0]  }
0x32: {  	v1 =	vld.idx.msk [tilespmem:v1+s2+$0x0], $0xffff;
	_ =	sdelay $0x4  }
0x33: {  	[tilespmem:s19+$0x10] =	vst v1  }
0x34: {  	v1 =	vld [tilespmem:s21+$0x20]  }
0x35: {  	v0 =	vld.idx.msk [tilespmem:v0+s2+$0x0], $0xffff;
	_ =	sdelay $0x4  }
0x36: {  	[tilespmem:s19+$0xA0] =	vst v0  }
0x37: {  	v0 =	vld [tilespmem:s21+$0xB0]  }
0x38: {  	v1 =	vld.idx.msk [tilespmem:v1+s2+$0x0], $0xffff;
	_ =	sdelay $0x4  }
0x39: {  	[tilespmem:s19+$0x20] =	vst v1  }
0x3a: {  	v1 =	vld [tilespmem:s21+$0x30]  }
0x3b: {  	s23 =	sadd.s32 $0x100, s21;
	v0 =	vld.idx.msk [tilespmem:v0+s2+$0x0], $0xffff  }
0x3c: {  	v2 =	vld [tilespmem:s23+$0x80];
	_ =	sdelay $0x3  }
0x3d: {  	v3 =	vld [tilespmem:s23+$0x0];
	[tilespmem:s19+$0xB0] =	vst v0  }
0x3e: {  	v0 =	vld [tilespmem:s21+$0xC0];
	_ =	sdelay $0x1  }
0x3f: {  	v1 =	vld.idx.msk [tilespmem:v1+s2+$0x0], $0xffff  }
0x40: {  	v2 =	vld.idx.msk [tilespmem:v2+s2+$0x0], $0xffff;
	_ =	sdelay $0x3  }
0x41: {  	s22 =	sadd.s32 $0x100, s19;
	[tilespmem:s19+$0x30] =	vst v1;
	v1 =	vld.idx.msk [tilespmem:v3+s2+$0x0], $0xffff  }
0x42: {  	[tilespmem:s22+$0x80] =	vst v2;
	v0 =	vld.idx.msk [tilespmem:v0+s2+$0x0], $0xffff  }
0x43: {  	v2 =	vld [tilespmem:s23+$0x90]  }
0x44: {  	v3 =	vld [tilespmem:s21+$0x40];
	_ =	sdelay $0x1  }
0x45: {  	[tilespmem:s22+$0x0] =	vst v1  }
0x46: {  	v1 =	vld [tilespmem:s23+$0x10];
	[tilespmem:s19+$0xC0] =	vst v0  }
0x47: {  	v0 =	vld [tilespmem:s21+$0xD0];
	_ =	sdelay $0x2  }
0x48: {  	v2 =	vld.idx.msk [tilespmem:v2+s2+$0x0], $0xffff  }
0x49: {  	v3 =	vld.idx.msk [tilespmem:v3+s2+$0x0], $0xffff;
	_ =	sdelay $0x2  }
0x4a: {  	v1 =	vld.idx.msk [tilespmem:v1+s2+$0x0], $0xffff  }
0x4b: {  	[tilespmem:s22+$0x90] =	vst v2;
	v0 =	vld.idx.msk [tilespmem:v0+s2+$0x0], $0xffff  }
0x4c: {  	v2 =	vld [tilespmem:s23+$0xA0];
	[tilespmem:s19+$0x40] =	vst v3  }
0x4d: {  	v3 =	vld [tilespmem:s21+$0x50];
	_ =	sdelay $0x1  }
0x4e: {  	[tilespmem:s22+$0x10] =	vst v1  }
0x4f: {  	v1 =	vld [tilespmem:s23+$0x20];
	[tilespmem:s19+$0xD0] =	vst v0  }
0x50: {  	v0 =	vld [tilespmem:s21+$0xE0];
	_ =	sdelay $0x2  }
0x51: {  	v2 =	vld.idx.msk [tilespmem:v2+s2+$0x0], $0xffff  }
0x52: {  	v3 =	vld.idx.msk [tilespmem:v3+s2+$0x0], $0xffff;
	_ =	sdelay $0x2  }
0x53: {  	v1 =	vld.idx.msk [tilespmem:v1+s2+$0x0], $0xffff  }
0x54: {  	[tilespmem:s22+$0xA0] =	vst v2;
	v0 =	vld.idx.msk [tilespmem:v0+s2+$0x0], $0xffff  }
0x55: {  	v2 =	vld [tilespmem:s23+$0xB0];
	[tilespmem:s19+$0x50] =	vst v3  }
0x56: {  	s24 =	sadd.s32 $0x100, s23;
	v3 =	vld [tilespmem:s21+$0x60]  }
0x57: {  	v4 =	vld [tilespmem:s24+$0x80]  }
0x58: {  	v5 =	vld [tilespmem:s24+$0x0];
	[tilespmem:s22+$0x20] =	vst v1  }
0x59: {  	v1 =	vld [tilespmem:s23+$0x30];
	[tilespmem:s19+$0xE0] =	vst v0  }
0x5a: {  	v0 =	vld [tilespmem:s21+$0xF0];
	_ =	sdelay $0x2  }
0x5b: {  	v2 =	vld.idx.msk [tilespmem:v2+s2+$0x0], $0xffff  }
0x5c: {  	v3 =	vld.idx.msk [tilespmem:v3+s2+$0x0], $0xffff  }
0x5d: {  	v4 =	vld.idx.msk [tilespmem:v4+s2+$0x0], $0xffff  }
0x5e: {  	v5 =	vld.idx.msk [tilespmem:v5+s2+$0x0], $0xffff  }
0x5f: {  	v1 =	vld.idx.msk [tilespmem:v1+s2+$0x0], $0xffff  }
0x60: {  	[tilespmem:s22+$0xB0] =	vst v2;
	v0 =	vld.idx.msk [tilespmem:v0+s2+$0x0], $0xffff  }
0x61: {  	[tilespmem:s19+$0x60] =	vst v3;
	v3 =	vld [tilespmem:s23+$0xC0]  }
0x62: {  	s25 =	sadd.s32 $0x100, s22;
	v2 =	vld [tilespmem:s21+$0x70]  }
0x63: {  	[tilespmem:s25+$0x80] =	vst v4  }
0x64: {  	v4 =	vld [tilespmem:s24+$0x90];
	[tilespmem:s22+$0x30] =	vst v1  }
0x65: {  	v1 =	vld [tilespmem:s23+$0x40];
	[tilespmem:s19+$0xF0] =	vst v0  }
0x66: {  	v0 =	vld [tilespmem:s21+$0x480]  }
0x67: {  	[tilespmem:s25+$0x0] =	vst v5  }
0x68: {  	v5 =	vld [tilespmem:s24+$0x10]  }
0x69: {  	v3 =	vld.idx.msk [tilespmem:v3+s2+$0x0], $0xffff  }
0x6a: {  	v2 =	vld.idx.msk [tilespmem:v2+s2+$0x0], $0xffff;
	_ =	sdelay $0x1  }
0x6b: {  	v4 =	vld.idx.msk [tilespmem:v4+s2+$0x0], $0xffff  }
0x6c: {  	v1 =	vld.idx.msk [tilespmem:v1+s2+$0x0], $0xffff  }
0x6d: {  	[tilespmem:s22+$0xC0] =	vst v3;
	v0 =	vld.idx.msk [tilespmem:v0+s2+$0x0], $0xffff  }
0x6e: {  	[tilespmem:s19+$0x70] =	vst v2;
	v2 =	vld [tilespmem:s23+$0xD0]  }
0x6f: {  	v5 =	vld.idx.msk [tilespmem:v5+s2+$0x0], $0xffff;
	_ =	sdelay $0x1  }
0x70: {  	v3 =	vld [tilespmem:s21+$0x400];
	[tilespmem:s22+$0x40] =	vst v1  }
0x71: {  	v1 =	vld [tilespmem:s23+$0x50];
	[tilespmem:s19+$0x480] =	vst v0  }
0x72: {  	[tilespmem:s25+$0x90] =	vst v4;
	v0 =	vld [tilespmem:s21+$0x490]  }
0x73: {  	[tilespmem:s25+$0x10] =	vst v5;
	v4 =	vld [tilespmem:s24+$0xA0]  }
0x74: {  	v5 =	vld [tilespmem:s24+$0x20]  }
0x75: {  	v2 =	vld.idx.msk [tilespmem:v2+s2+$0x0], $0xffff;
	_ =	sdelay $0x2  }
0x76: {  	v3 =	vld.idx.msk [tilespmem:v3+s2+$0x0], $0xffff  }
0x77: {  	v1 =	vld.idx.msk [tilespmem:v1+s2+$0x0], $0xffff  }
0x78: {  	[tilespmem:s22+$0xD0] =	vst v2;
	v0 =	vld.idx.msk [tilespmem:v0+s2+$0x0], $0xffff  }
0x79: {  	v2 =	vld [tilespmem:s23+$0xE0]  }
0x7a: {  	v4 =	vld.idx.msk [tilespmem:v4+s2+$0x0], $0xffff  }
0x7b: {  	v5 =	vld.idx.msk [tilespmem:v5+s2+$0x0], $0xffff;
	[tilespmem:s19+$0x400] =	vst v3  }
0x7c: {  	v3 =	vld [tilespmem:s21+$0x410];
	[tilespmem:s22+$0x50] =	vst v1  }
0x7d: {  	v6 =	vld [tilespmem:s23+$0x60];
	[tilespmem:s19+$0x490] =	vst v0  }
0x7e: {  	v0 =	vld [tilespmem:s21+$0x4A0]  }
0x7f: {  	[tilespmem:s25+$0xA0] =	vst v4  }
0x80: {  	v7 =	vld [tilespmem:s24+$0xB0]  }
0x81: {  	v2 =	vld.idx.msk [tilespmem:v2+s2+$0x0], $0xffff  }
0x82: {  	[tilespmem:s25+$0x20] =	vst v5  }
0x83: {  	v4 =	vld [tilespmem:s24+$0x30]  }
0x84: {  	v8 =	vld.idx.msk [tilespmem:v3+s2+$0x0], $0xffff  }
0x85: {  	v3 =	vld.idx.msk [tilespmem:v6+s2+$0x0], $0xffff  }
0x86: {  	[tilespmem:s22+$0xE0] =	vst v2;
	v1 =	vld.idx.msk [tilespmem:v0+s2+$0x0], $0xffff  }
0x87: {  	v2 =	vld [tilespmem:s23+$0xF0];
	_ =	sdelay $0x1  }
0x88: {  	s29 =	simm.s32 $0x4;
	v5 =	vld.idx.msk [tilespmem:v7+s2+$0x0], $0xffff;
	[tilespmem:s19+$0x410] =	vst v8  }
0x89: {  	s26 =	sadd.s32 s6, s26;
	s28 =	smov.u32 s19;
	s30 =	sadd.s32 $0x100, s24;
	v0 =	vld [tilespmem:s21+$0x420]  }
.LBB2_3:
0x8a: {  	v6 =	vld [tilespmem:s30+$0x80];
	[tilespmem:s28+$0x4A0] =	vst v1;
	s31 =	smov.u32 s25  }
0x8b: {  	s29 =	sadd.s32 $0x2, s29;
	[tilespmem:s22+$0x60] =	vst v3;
	v1 =	vld [tilespmem:s21+$0x4B0]  }
0x8c: {  	p2 =	slt.u32 s29, $0x6;
	v3 =	vld [tilespmem:s30+$0x0]  }
0x8d: {  	v4 =	vld.idx.msk [tilespmem:v4+s2+$0x0], $0xffff  }
0x8e: {  	v2 =	vld.idx.msk [tilespmem:v2+s2+$0x0], $0xffff  }
0x8f: {  	[tilespmem:s25+$0xB0] =	vst v5;
	v5 =	vld [tilespmem:s23+$0x70]  }
0x90: {  	v7 =	vld [tilespmem:s24+$0xC0]  }
0x91: {  	v0 =	vld.idx.msk [tilespmem:v0+s2+$0x0], $0xffff  }
0x92: {  	v6 =	vld.idx.msk [tilespmem:v6+s2+$0x0], $0xffff  }
0x93: {  	[tilespmem:s25+$0x30] =	vst v4;
	v1 =	vld.idx.msk [tilespmem:v1+s2+$0x0], $0xffff  }
0x94: {  	v3 =	vld.idx.msk [tilespmem:v3+s2+$0x0], $0xffff;
	[tilespmem:s22+$0xF0] =	vst v2  }
0x95: {  	v2 =	vld [tilespmem:s23+$0x480]  }
0x96: {  	v4 =	vld [tilespmem:s24+$0x40]  }
0x97: {  	s25 =	sadd.s32 $0x100, s25;
	v5 =	vld.idx.msk [tilespmem:v5+s2+$0x0], $0xffff;
	[tilespmem:s28+$0x420] =	vst v0  }
0x98: {  	[tilespmem:s25+$0x80] =	vst v6;
	v0 =	vld.idx.msk [tilespmem:v7+s2+$0x0], $0xffff  }
0x99: {  	v6 =	vld [tilespmem:s30+$0x90];
	[tilespmem:s28+$0x4B0] =	vst v1  }
0x9a: {  	[tilespmem:s25+$0x0] =	vst v3;
	v1 =	vld [tilespmem:s21+$0x4B8]  }
0x9b: {  	v3 =	vld [tilespmem:s30+$0x10]  }
0x9c: {  	v7 =	vld [tilespmem:s21+$0x430]  }
0x9d: {  	[tilespmem:s22+$0x70] =	vst v5;
	v2 =	vld.idx.msk [tilespmem:v2+s2+$0x0], $0xffff  }
0x9e: {  	v4 =	vld.idx.msk [tilespmem:v4+s2+$0x0], $0xffff;
	[tilespmem:s31+$0xC0] =	vst v0  }
0x9f: {  	v0 =	vld [tilespmem:s24+$0xD0]  }
0xa0: {  	v5 =	vld [tilespmem:s23+$0x400]  }
0xa1: {  	v6 =	vld.idx.msk [tilespmem:v6+s2+$0x0], $0xffff  }
0xa2: {  	v1 =	vld.idx.msk [tilespmem:v1+s2+$0x0], $0xffff  }
0xa3: {  	v3 =	vld.idx.msk [tilespmem:v3+s2+$0x0], $0xffff;
	[tilespmem:s22+$0x480] =	vst v2  }
0xa4: {  	[tilespmem:s31+$0x40] =	vst v4;
	v2 =	vld [tilespmem:s23+$0x490]  }
0xa5: {  	v4 =	vld [tilespmem:s24+$0x50]  }
0xa6: {  	v7 =	vld.idx.msk [tilespmem:v7+s2+$0x0], $0xffff  }
0xa7: {  	[tilespmem:s25+$0x90] =	vst v6;
	v0 =	vld.idx.msk [tilespmem:v0+s2+$0x0], $0xffff  }
0xa8: {  	v5 =	vld.idx.msk [tilespmem:v5+s2+$0x0], $0xffff;
	[tilespmem:s28+$0x4B8] =	vst v1  }
0xa9: {  	[tilespmem:s25+$0x10] =	vst v3;
	v1 =	vld [tilespmem:s30+$0xA0]  }
0xaa: {  	v3 =	vld [tilespmem:s30+$0x20];
	_ =	sdelay $0x1  }
0xab: {  	v2 =	vld.idx.msk [tilespmem:v2+s2+$0x0], $0xffff;
	[tilespmem:s28+$0x430] =	vst v7  }
0xac: {  	v4 =	vld.idx.msk [tilespmem:v4+s2+$0x0], $0xffff;
	[tilespmem:s31+$0xD0] =	vst v0  }
0xad: {  	v0 =	vld [tilespmem:s24+$0xE0];
	[tilespmem:s22+$0x400] =	vst v5  }
0xae: {  	v5 =	vld [tilespmem:s23+$0x410]  }
0xaf: {  	v6 =	vld [tilespmem:s21+$0x438];
	s21 =	smov.u32 s23;
	s23 =	smov.u32 s24;
	s24 =	smov.u32 s30  }
0xb0: {  	v1 =	vld.idx.msk [tilespmem:v1+s2+$0x0], $0xffff  }
0xb1: {  	v3 =	vld.idx.msk [tilespmem:v3+s2+$0x0], $0xffff;
	[tilespmem:s22+$0x490] =	vst v2  }
0xb2: {  	[tilespmem:s31+$0x50] =	vst v4;
	v2 =	vld [tilespmem:s21+$0x4A0]  }
0xb3: {  	v7 =	vld [tilespmem:s23+$0x60];
	_ =	sdelay $0x1  }
0xb4: {  	v0 =	vld.idx.msk [tilespmem:v0+s2+$0x0], $0xffff  }
0xb5: {  	[tilespmem:s25+$0xA0] =	vst v1;
	v5 =	vld.idx.msk [tilespmem:v5+s2+$0x0], $0xffff  }
0xb6: {  	[tilespmem:s25+$0x20] =	vst v3;
	v8 =	vld [tilespmem:s30+$0xB0]  }
0xb7: {  	v4 =	vld [tilespmem:s30+$0x30]  }
0xb8: {  	v6 =	vld.idx.msk [tilespmem:v6+s2+$0x0], $0xffff  }
0xb9: {  	v1 =	vld.idx.msk [tilespmem:v2+s2+$0x0], $0xffff  }
.Ltmp0:
0xba: {  	v3 =	vld.idx.msk [tilespmem:v7+s2+$0x0], $0xffff;
	[tilespmem:s31+$0xE0] =	vst v0;
	(pc) =	sbr.rel @p2 .LBB2_3-.Ltmp0, $3  }
0xbb: {  	v2 =	vld [tilespmem:s23+$0xF0];
	[tilespmem:s22+$0x410] =	vst v5  }
0xbc: {  	v0 =	vld [tilespmem:s21+$0x420];
	_ =	sdelay $0x1  }
0xbd: {  	s30 =	sadd.s32 $0x100, s30;
	v5 =	vld.idx.msk [tilespmem:v8+s2+$0x0], $0xffff;
	[tilespmem:s28+$0x438] =	vst v6;
	s28 =	smov.u32 s22;
	s22 =	smov.u32 s31  }
0xbe: {  	_ =	sdelay $0x3  }
0xbf: {  	v4 =	vld.idx.msk [tilespmem:v4+s2+$0x0], $0xffff;
	_ =	sdelay $0x3  }
0xc0: {  	[tilespmem:s25+$0xB0] =	vst v5  }
0xc1: {  	v5 =	vld [tilespmem:s24+$0xC0];
	[tilespmem:s25+$0x30] =	vst v4  }
0xc2: {  	v4 =	vld [tilespmem:s24+$0x40];
	_ =	sdelay $0x6  }
0xc3: {  	v5 =	vld.idx.msk [tilespmem:v5+s2+$0x0], $0xffff  }
0xc4: {  	v4 =	vld.idx.msk [tilespmem:v4+s2+$0x0], $0xffff;
	_ =	sdelay $0x3  }
0xc5: {  	[tilespmem:s25+$0xC0] =	vst v5  }
0xc6: {  	v5 =	vld [tilespmem:s24+$0xD0];
	[tilespmem:s25+$0x40] =	vst v4  }
0xc7: {  	v4 =	vld [tilespmem:s24+$0x50];
	_ =	sdelay $0x6  }
0xc8: {  	v5 =	vld.idx.msk [tilespmem:v5+s2+$0x0], $0xffff  }
0xc9: {  	v4 =	vld.idx.msk [tilespmem:v4+s2+$0x0], $0xffff;
	_ =	sdelay $0x3  }
0xca: {  	[tilespmem:s25+$0xD0] =	vst v5  }
0xcb: {  	v5 =	vld [tilespmem:s24+$0xE0];
	[tilespmem:s25+$0x50] =	vst v4  }
0xcc: {  	v4 =	vld [tilespmem:s24+$0x60];
	_ =	sdelay $0x6  }
0xcd: {  	v5 =	vld.idx.msk [tilespmem:v5+s2+$0x0], $0xffff  }
0xce: {  	v4 =	vld.idx.msk [tilespmem:v4+s2+$0x0], $0xffff;
	_ =	sdelay $0x1  }
0xcf: {  	[tilespmem:s22+$0x60] =	vst v3  }
0xd0: {  	v3 =	vld [tilespmem:s23+$0x70]  }
0xd1: {  	[tilespmem:s25+$0xE0] =	vst v5  }
0xd2: {  	v5 =	vld [tilespmem:s24+$0xF0];
	[tilespmem:s25+$0x60] =	vst v4  }
0xd3: {  	v4 =	vld [tilespmem:s24+$0x70];
	_ =	sdelay $0x3  }
0xd4: {  	v2 =	vld.idx.msk [tilespmem:v2+s2+$0x0], $0xffff  }
0xd5: {  	v3 =	vld.idx.msk [tilespmem:v3+s2+$0x0], $0xffff;
	_ =	sdelay $0x1  }
0xd6: {  	v5 =	vld.idx.msk [tilespmem:v5+s2+$0x0], $0xffff  }
0xd7: {  	v4 =	vld.idx.msk [tilespmem:v4+s2+$0x0], $0xffff  }
0xd8: {  	[tilespmem:s22+$0xF0] =	vst v2  }
0xd9: {  	v2 =	vld [tilespmem:s23+$0x480];
	[tilespmem:s22+$0x70] =	vst v3  }
0xda: {  	v3 =	vld [tilespmem:s23+$0x400]  }
0xdb: {  	[tilespmem:s25+$0xF0] =	vst v5  }
0xdc: {  	v5 =	vld [tilespmem:s24+$0x480];
	[tilespmem:s25+$0x70] =	vst v4  }
0xdd: {  	v4 =	vld [tilespmem:s24+$0x400];
	_ =	sdelay $0x3  }
0xde: {  	v2 =	vld.idx.msk [tilespmem:v2+s2+$0x0], $0xffff  }
0xdf: {  	v3 =	vld.idx.msk [tilespmem:v3+s2+$0x0], $0xffff;
	_ =	sdelay $0x1  }
0xe0: {  	v5 =	vld.idx.msk [tilespmem:v5+s2+$0x0], $0xffff  }
0xe1: {  	v4 =	vld.idx.msk [tilespmem:v4+s2+$0x0], $0xffff  }
0xe2: {  	[tilespmem:s22+$0x480] =	vst v2  }
0xe3: {  	v2 =	vld [tilespmem:s23+$0x490];
	[tilespmem:s22+$0x400] =	vst v3  }
0xe4: {  	v3 =	vld [tilespmem:s23+$0x410]  }
0xe5: {  	[tilespmem:s25+$0x480] =	vst v5  }
0xe6: {  	v5 =	vld [tilespmem:s24+$0x490];
	[tilespmem:s25+$0x400] =	vst v4  }
0xe7: {  	v4 =	vld [tilespmem:s24+$0x410];
	_ =	sdelay $0x3  }
0xe8: {  	v2 =	vld.idx.msk [tilespmem:v2+s2+$0x0], $0xffff  }
0xe9: {  	v3 =	vld.idx.msk [tilespmem:v3+s2+$0x0], $0xffff;
	_ =	sdelay $0x1  }
0xea: {  	v5 =	vld.idx.msk [tilespmem:v5+s2+$0x0], $0xffff  }
0xeb: {  	v4 =	vld.idx.msk [tilespmem:v4+s2+$0x0], $0xffff  }
0xec: {  	[tilespmem:s22+$0x490] =	vst v2  }
0xed: {  	v2 =	vld [tilespmem:s23+$0x4A0];
	[tilespmem:s22+$0x410] =	vst v3  }
0xee: {  	v3 =	vld [tilespmem:s23+$0x420]  }
0xef: {  	[tilespmem:s25+$0x490] =	vst v5  }
0xf0: {  	v5 =	vld [tilespmem:s24+$0x4A0];
	[tilespmem:s25+$0x410] =	vst v4  }
0xf1: {  	v4 =	vld [tilespmem:s24+$0x420];
	_ =	sdelay $0x2  }
0xf2: {  	v0 =	vld.idx.msk [tilespmem:v0+s2+$0x0], $0xffff  }
0xf3: {  	v2 =	vld.idx.msk [tilespmem:v2+s2+$0x0], $0xffff  }
0xf4: {  	v3 =	vld.idx.msk [tilespmem:v3+s2+$0x0], $0xffff;
	_ =	sdelay $0x1  }
0xf5: {  	v5 =	vld.idx.msk [tilespmem:v5+s2+$0x0], $0xffff  }
0xf6: {  	[tilespmem:s28+$0x420] =	vst v0;
	v62 =	vld.idx.msk [tilespmem:v4+s2+$0x0], $0xffff  }
0xf7: {  	v0 =	vld [tilespmem:s21+$0x430];
	[tilespmem:s22+$0x4A0] =	vst v2  }
0xf8: {  	v2 =	vld [tilespmem:s23+$0x4B0];
	[tilespmem:s22+$0x420] =	vst v3  }
0xf9: {  	[tilespmem:s28+$0x4A0] =	vst v1;
	v3 =	vld [tilespmem:s23+$0x430]  }
0xfa: {  	v63 =	vld [tilespmem:s21+$0x4B0];
	[tilespmem:s25+$0x4A0] =	vst v5  }
0xfb: {  	v5 =	vld [tilespmem:s24+$0x4B0];
	[tilespmem:s25+$0x420] =	vst v62  }
0xfc: {  	v1 =	vld [tilespmem:s24+$0x430];
	_ =	sdelay $0x2  }
0xfd: {  	v0 =	vld.idx.msk [tilespmem:v0+s2+$0x0], $0xffff  }
0xfe: {  	v2 =	vld.idx.msk [tilespmem:v2+s2+$0x0], $0xffff  }
0xff: {  	v3 =	vld.idx.msk [tilespmem:v3+s2+$0x0], $0xffff  }
0x100: {  	v4 =	vld.idx.msk [tilespmem:v63+s2+$0x0], $0xffff  }
0x101: {  	v5 =	vld.idx.msk [tilespmem:v5+s2+$0x0], $0xffff  }
0x102: {  	[tilespmem:s28+$0x430] =	vst v0;
	v1 =	vld.idx.msk [tilespmem:v1+s2+$0x0], $0xffff  }
0x103: {  	v0 =	vld [tilespmem:s21+$0x438];
	[tilespmem:s22+$0x4B0] =	vst v2  }
0x104: {  	v2 =	vld [tilespmem:s23+$0x4B8];
	[tilespmem:s22+$0x430] =	vst v3  }
0x105: {  	v3 =	vld [tilespmem:s23+$0x438];
	[tilespmem:s28+$0x4B0] =	vst v4  }
0x106: {  	v4 =	vld [tilespmem:s21+$0x4B8];
	[tilespmem:s25+$0x4B0] =	vst v5  }
0x107: {  	v5 =	vld [tilespmem:s24+$0x4B8];
	[tilespmem:s25+$0x430] =	vst v1  }
0x108: {  	v1 =	vld [tilespmem:s24+$0x438];
	_ =	sdelay $0x2  }
0x109: {  	v0 =	vld.idx.msk [tilespmem:v0+s2+$0x0], $0xffff  }
0x10a: {  	v2 =	vld.idx.msk [tilespmem:v2+s2+$0x0], $0xffff  }
0x10b: {  	v3 =	vld.idx.msk [tilespmem:v3+s2+$0x0], $0xffff  }
0x10c: {  	v4 =	vld.idx.msk [tilespmem:v4+s2+$0x0], $0xffff  }
0x10d: {  	v5 =	vld.idx.msk [tilespmem:v5+s2+$0x0], $0xffff  }
0x10e: {  	[tilespmem:s28+$0x438] =	vst v0;
	v1 =	vld.idx.msk [tilespmem:v1+s2+$0x0], $0xffff  }
0x10f: {  	[tilespmem:s22+$0x4B8] =	vst v2  }
0x110: {  	p2 =	seq.s32 s18, $0x3;
	[tilespmem:s22+$0x438] =	vst v3  }
0x111: {  	p1 =	por p2, p1;
	[tilespmem:s28+$0x4B8] =	vst v4  }
0x112: {  	s20 =	sadd.s32 @p1 $0x3, s20;
	s22 =	sshll.u32 @p1 s26, $0x8;
	[tilespmem:s25+$0x4B8] =	vst v5  }
0x113: {  	s23 =	simm.s32 @p1 $0x0;
	s22 =	sand.u32 @p1 $0x1FFFFF00, s22;
	s21 =	simm.s32 $0x1;
	[tilespmem:s25+$0x438] =	vst v1  }
0x114: {  	s22 =	sadd.s32 @p1 s5, s22;
	s21 =	simm.s32 @!p0 $0x0;
	_ =	strace $0x9000004B  }
0x115: {  	p0 =	seq.s32 s18, $0x0;
	s17 =	sadd.s32 s21, s17;
	_ =	strace @p1 $0x8000004C  }
0x116: {  	[hbm4b:s22+s23] =	stream.linear.scatter @p1 [tilespmem:s19], [sflag:s20], $0x800, $0x200038;
	[tilespmem:$0x2080] =	vst v63  }
0x117: {  	s21 =	simm.s32 $0x1;
	s19 =	simm.s32 $0x1;
	_ =	strace @p1 $0x9000004C  }
0x118: {  	s19 =	simm.s32 @!p1 $0x0;
	p1 =	sne.s32 s18, $0x0;
	s18 =	sadd.s32 $0x1, s18  }
0x119: {  	s20 =	sand.u32 @!p0 $0x1, s14;
	s21 =	simm.s32 @!p1 $0x0;
	p1 =	sne.s32 s18, $0x4  }
.Ltmp1:
0x11a: {  	s20 =	sadd.s32 @!p0 $0x3, s20;
	_ =	strace @!p0 $0x8000004D;
	(pc) =	sbr.rel @p1 .LBB2_2-.Ltmp1, $4  }
0x11b: {  	_ =	swait.ge @!p0 [sflag:s20], $0x800  }
0x11c: {  	[sflag:s20] =	ssyncset.done @!p0 $0x0  }
0x11d: {  	s15 =	sadd.s32 s19, s15;
	[sflag:s20] =	ssyncadd.s32 @!p0 $0xFFFFF800  }
0x11e: {  	s16 =	sadd.s32 s19, s16;
	s14 =	sadd.s32 s21, s14;
	_ =	strace @!p0 $0x9000004D  }
0x11f: {  	s12 =	sadd.s32 $0x1, s12  }
0x120: {  	p0 =	sne.s32 s12, s8  }
.Ltmp2:
0x121: {  	_ =	strace $0x8000004E;
	(pc) =	sbr.rel @p0 .LBB2_1-.Ltmp2, $4  }
0x122: {  	_ =	swait.ge [sflag:s11], $0x800  }
0x123: {  	[sflag:s11] =	ssyncset.done $0x0  }
0x124: {  	[sflag:s11] =	ssyncadd.s32 $0xFFFFF800  }
0x125: {  	_ =	strace $0x9000004E  }
0x126: {  	_ =	sfence.sel $0x180000  }
0x127: {  	[bflag:$0x0] =	sbarrier.arrive $0xFFFF  }
0x128: {  	p0 =	sne.s32 s3, $0x0;
	_ =	strace $0x90000047  }
0x129: {  	s0 =	sadd.s32 @!p0 $0x100000, s0;
	[bflag:$0x2] =	sbarrier.arrive $0xFFFF  }
0x12a: {  	[sflag:s0] =	ssyncadd.tile.s32 @!p0 $0x1;
	_ =	shalt  }
.Lfunc_end2:
_tile_overlayer_lowered:
.L_overlay_start_2:
0x12b: {  	(tag) =	ssettag $0x2  }
0x12c: {  	s0 =	rddreg [dreg:$0x0];
	s2 =	stileid.u32  }
0x12d: {  	s1 =	rddreg [dreg:$0x1];
	p0 =	sne.s32 s2, $0x0  }
0x12e: {  	s3 =	rddreg [dreg:$0x2];
	[bflag:$0x3] =	sbarrier.arrive $0xFFFF;
	s2 =	simm.s32 @!p0 $0x1C01  }
0x12f: {  	[timem:s3], [sflag:s2] =	dma.local @!p0 [hbm:s0], s1  }
0x130: {  	s0 =	simm.s32 @!p0 $0x1  }
0x131: {  	_ =	swait.ge @!p0 [sflag:s0], s1  }
0x132: {  	s1 =	ssub.s32 @!p0 $0x0, s1;
	[sflag:s0] =	ssyncset.done @!p0 $0x0  }
0x133: {  	[sflag:s0] =	ssyncadd.s32 @!p0 s1  }
0x134: {  	[bflag:$0x3] =	sbarrier.arrive $0xFFFF  }
0x135: {  	_ =	shalt  }

</sc_bundles>
